<compile_context>
chip_gen: v7x
topology: tpu7x:2x2x1
jax: 0.10.2.dev20260603
libtpu: 0.0.44.dev20260713+nightly
codegen_flags: <defaults>
</compile_context>

<pallas_src>
import functools

import jax
import jax.numpy as jnp
from jax import lax
from jax.experimental import pallas as pl
from jax.experimental.pallas import tpu as pltpu
from jax.experimental.pallas import tpu_sc as plsc

NC = 2
NS = 16
NW = NC * NS

CHUNK = 80
BR = 32


def _padded_sizes(n_nodes, n_edges):
  n_pad = ((n_nodes + NS * BR - 1) // (NS * BR)) * (NS * BR)
  n_chunks = 2 * -(-n_edges // (NW * CHUNK * 2))
  return n_pad, n_chunks


def _sc_aggregate(n_nodes, d, n_edges):
  n_pad, n_chunks = _padded_sizes(n_nodes, n_edges)
  edges_per_worker = n_chunks * CHUNK
  rows_per_tile = n_pad // NS
  assert rows_per_tile % BR == 0 and rows_per_tile % 8 == 0
  assert n_chunks % 2 == 0 and n_chunks >= 4

  mesh = plsc.VectorSubcoreMesh(core_axis_name="c", subcore_axis_name="s")

  @functools.partial(
      pl.kernel,
      out_type=(
          jax.ShapeDtypeStruct((NC, n_pad, d), jnp.float32),
          jax.ShapeDtypeStruct((NC * n_pad,), jnp.float32),
      ),
      mesh=mesh,
      scratch_types=[
          pltpu.VMEM_SHARED((n_pad, d), jnp.float32),
          pltpu.VMEM_SHARED((n_pad,), jnp.float32),
          pltpu.VMEM((CHUNK,), jnp.int32),
          pltpu.VMEM((CHUNK,), jnp.int32),
          pltpu.VMEM((CHUNK,), jnp.int32),
          pltpu.VMEM((CHUNK, d), jnp.float32),
          pltpu.VMEM((CHUNK, d), jnp.float32),
          pltpu.VMEM((CHUNK,), jnp.int32),
          pltpu.VMEM((CHUNK,), jnp.int32),
          pltpu.VMEM((CHUNK,), jnp.int32),
          pltpu.VMEM((CHUNK, d), jnp.float32),
          pltpu.VMEM((CHUNK, d), jnp.float32),
          pltpu.VMEM((CHUNK,), jnp.float32),
          pltpu.VMEM((BR, d), jnp.float32),
          pltpu.VMEM((rows_per_tile,), jnp.float32),
          pltpu.SemaphoreType.DMA,
          pltpu.SemaphoreType.DMA,
          pltpu.SemaphoreType.DMA,
          pltpu.SemaphoreType.DMA,
          pltpu.SemaphoreType.DMA,
          pltpu.SemaphoreType.DMA,
          pltpu.SemaphoreType.DMA,
      ],
  )
  def agg_kernel(nodes_hbm, rel_hbm, srci_hbm, reli_hbm, dsti_hbm,
                 zrow_hbm, zcnt_hbm, ones_hbm,
                 sums_out, counts_out,
                 sums_sp, cnts_sp,
                 src_a, rel_a, dst_a, bufx_a, bufr_a,
                 src_b, rel_b, dst_b, bufx_b, bufr_b,
                 ones_v, bounce, bounce_c,
                 semx_a, semr_a, semx_b, semr_b, sems_a, sems_b, sem_cnt):
    c = lax.axis_index("c")
    s = lax.axis_index("s")
    wid = c * NS + s
    base = wid * edges_per_worker
    row0 = s * rows_per_tile

    buf_a = (src_a, rel_a, dst_a, bufx_a, bufr_a, semx_a, semr_a, sems_a)
    buf_b = (src_b, rel_b, dst_b, bufx_b, bufr_b, semx_b, semr_b, sems_b)

    def load_and_gather(buf, i):
      src_v, rel_v, dst_v, bufx, bufr, semx, semr, _ = buf
      off = base + i * CHUNK
      pltpu.sync_copy(srci_hbm.at[pl.ds(off, CHUNK)], src_v)
      pltpu.sync_copy(reli_hbm.at[pl.ds(off, CHUNK)], rel_v)
      pltpu.sync_copy(dsti_hbm.at[pl.ds(off, CHUNK)], dst_v)
      pltpu.async_copy(nodes_hbm.at[src_v], bufx, semx)
      pltpu.async_copy(rel_hbm.at[rel_v], bufr, semr)

    def finish_async(buf):
      src_v, rel_v, dst_v, bufx, bufr, semx, semr, sems = buf
      pltpu.make_async_copy(nodes_hbm.at[src_v], bufx, semx).wait()
      pltpu.make_async_copy(rel_hbm.at[rel_v], bufr, semr).wait()
      pltpu.async_copy(bufx, sums_sp.at[dst_v], sems, add=True)
      pltpu.async_copy(bufr, sums_sp.at[dst_v], sems, add=True)
      pltpu.async_copy(ones_v, cnts_sp.at[dst_v], sem_cnt, add=True)

    def drain_scatters(buf):
      src_v, rel_v, dst_v, bufx, bufr, semx, semr, sems = buf
      pltpu.make_async_copy(bufx, sums_sp.at[dst_v], sems).wait()
      pltpu.make_async_copy(bufr, sums_sp.at[dst_v], sems).wait()

    pltpu.sync_copy(zrow_hbm, bounce)
    pltpu.sync_copy(zcnt_hbm, bounce_c)
    pltpu.sync_copy(ones_hbm, ones_v)

    def zinit_body(j, carry):
      r = row0 + j * BR
      pltpu.sync_copy(bounce, sums_sp.at[pl.ds(r, BR)])
      return carry

    lax.fori_loop(0, rows_per_tile // BR, zinit_body, 0)
    pltpu.sync_copy(bounce_c, cnts_sp.at[pl.ds(row0, rows_per_tile)])
    plsc.subcore_barrier()

    load_and_gather(buf_a, 0)
    load_and_gather(buf_b, 1)

    def pair_body(j, carry):
      finish_async(buf_a)
      finish_async(buf_b)
      drain_scatters(buf_a)
      load_and_gather(buf_a, 2 * j + 2)
      drain_scatters(buf_b)
      load_and_gather(buf_b, 2 * j + 3)
      return carry

    lax.fori_loop(0, n_chunks // 2 - 1, pair_body, 0)
    finish_async(buf_a)
    finish_async(buf_b)
    drain_scatters(buf_a)
    drain_scatters(buf_b)
    def drain_cnt_body(i, carry):
      pltpu.make_async_copy(ones_v, cnts_sp.at[dst_a], sem_cnt).wait()
      return carry

    lax.fori_loop(0, n_chunks, drain_cnt_body, 0)
    plsc.subcore_barrier()

    def writeback_body(j, carry):
      r = row0 + j * BR
      pltpu.sync_copy(sums_sp.at[pl.ds(r, BR)], bounce)
      pltpu.sync_copy(bounce, sums_out.at[c, pl.ds(r, BR)])
      return carry

    lax.fori_loop(0, rows_per_tile // BR, writeback_body, 0)
    pltpu.sync_copy(cnts_sp.at[pl.ds(row0, rows_per_tile)], bounce_c)
    pltpu.sync_copy(bounce_c,
                    counts_out.at[pl.ds(c * n_pad + row0, rows_per_tile)])

  return agg_kernel


def _combine_body(nodes_ref, sums_ref, counts_ref, w_ref, out_ref):
  s = sums_ref[0] + sums_ref[1]
  cnt = counts_ref[0, :, 0:1] + counts_ref[1, :, 0:1]
  cnt = jnp.maximum(cnt, 1.0)
  agg = jnp.dot(s, w_ref[...], preferred_element_type=jnp.float32)
  out_ref[...] = nodes_ref[...] + agg / cnt


def kernel(nodes_embed, relation_embed, edges, w_neighbor):
  n_nodes, d = nodes_embed.shape
  n_edges = edges.shape[0]

  src = edges[:, 0]
  rel = edges[:, 1]
  dst = edges[:, 2]

  n_pad, n_chunks = _padded_sizes(n_nodes, n_edges)
  rows_per_tile = n_pad // NS
  total_e = NW * n_chunks * CHUNK
  extra = total_e - n_edges
  if extra:
    pad_iota = jnp.arange(extra, dtype=jnp.int32)
    src = jnp.concatenate([src, pad_iota % n_nodes])
    rel = jnp.concatenate([rel, pad_iota % n_nodes])
    dst = jnp.concatenate([dst, n_nodes + pad_iota % (n_pad - n_nodes)])

  zrow = jnp.zeros((BR, d), jnp.float32)
  zcnt = jnp.zeros((rows_per_tile,), jnp.float32)
  ones = jnp.ones((CHUNK,), jnp.float32)

  agg_kernel = _sc_aggregate(n_nodes, d, n_edges)
  sums, counts = agg_kernel(nodes_embed, relation_embed, src, rel, dst,
                            zrow, zcnt, ones)
  counts = counts.reshape(NC, n_pad)[..., None]

  block_rows = 400
  n_blocks = n_nodes // block_rows
  h = pl.pallas_call(
      _combine_body,
      grid=(n_blocks,),
      in_specs=[
          pl.BlockSpec((block_rows, d), lambda i: (i, 0)),
          pl.BlockSpec((NC, block_rows, d), lambda i: (0, i, 0)),
          pl.BlockSpec((NC, block_rows, 1), lambda i: (0, i, 0)),
          pl.BlockSpec((d, d), lambda i: (0, 0)),
      ],
      out_specs=pl.BlockSpec((block_rows, d), lambda i: (i, 0)),
      out_shape=jax.ShapeDtypeStruct((n_nodes, d), jnp.float32),
  )(nodes_embed, sums, counts, w_neighbor)
  return h

# --- scband reference (transcript-rebuilt; emitter-appended) ---
"""Pipeline reference for scband-urgcnlayer-71004399337807 (READ-ONLY COPY).

The authoritative reference and input builder live on the scoring server;
editing this copy changes nothing except your own understanding.
"""

import jax, jax.numpy as jnp
import numpy as np

N_NODES = 10000
N_EDGES = 320000
D_IN = 128
D_OUT = 128


def _xavier_uniform(key, shape, gain):
    fan_in, fan_out = shape[0], shape[1]
    limit = gain * np.sqrt(6.0 / (fan_in + fan_out))
    return jax.random.uniform(key, shape, dtype=jnp.float32, minval=-limit, maxval=limit)


def setup_inputs(seed: int = 0) -> dict:
    key = jax.random.key(seed)
    k1, k2, k3, k4 = jax.random.split(key, 4)
    nodes_embed = jax.random.normal(k1, (N_NODES, D_IN), dtype=jnp.float32)
    # docstring: relation_embed has one row per edge, indexed by edges[:, 1]
    relation_embed = jax.random.normal(k2, (N_EDGES, D_IN), dtype=jnp.float32)
    # columns: (src node, edge/relation id, dst node); fill_max=N_NODES keeps all
    # columns in range since N_NODES <= N_EDGES
    edges = jax.random.randint(k3, (N_EDGES, 3), 0, N_NODES, dtype=jnp.int32)
    gain = np.sqrt(2.0)  # calculate_gain('relu')
    w_neighbor = _xavier_uniform(k4, (D_IN, D_OUT), gain)
    return {
        "nodes_embed": nodes_embed,
        "relation_embed": relation_embed,
        "edges": edges,
        "w_neighbor": w_neighbor,
    }


def reference(nodes_embed, relation_embed, edges, w_neighbor):
    # self_loop=False -> self.self_loop is None -> h = nodes_embed
    h = nodes_embed
    src = edges[:, 0]
    rel = edges[:, 1]
    dst = edges[:, 2]
    # gather + add + dense matmul: message = (x[src] + r[rel]) @ W
    message = jnp.dot(nodes_embed[src] + relation_embed[rel], w_neighbor)
    # RGCNLayer.aggregate: mean of incoming messages per destination node.
    n = nodes_embed.shape[0]
    sums = jnp.zeros((n, message.shape[1]), dtype=message.dtype).at[dst].add(message)
    counts = jnp.zeros((n,), dtype=message.dtype).at[dst].add(1.0)
    agg = sums / jnp.maximum(counts, 1.0)[:, None]
    # h[des_index] = h[des_index] + message  (zero added for nodes with no in-edges)
    h = h + agg
    # active=False -> no ReLU; dropout(p=0.0) in eval -> identity
    return h

if __name__ == "__main__":
    import jax
    _d = setup_inputs()
    print(jax.jit(kernel)(*tuple(_d.values())))

</pallas_src>

<mosaic_0001>
#map = affine_map<(d0, d1) -> (0, 0)>
#map1 = affine_map<(d0, d1) -> (0)>
#map2 = affine_map<(d0, d1) -> (0, 0, 0)>
module attributes {stable_mosaic.version = 14 : i64} {
  func.func @agg_kernel(%arg0: i32, %arg1: i32, %arg2: memref<10000x128xf32, #tpu.memory_space<hbm>>, %arg3: memref<320000x128xf32, #tpu.memory_space<hbm>>, %arg4: memref<322560xi32, #tpu.memory_space<hbm>>, %arg5: memref<322560xi32, #tpu.memory_space<hbm>>, %arg6: memref<322560xi32, #tpu.memory_space<hbm>>, %arg7: memref<32x128xf32, #tpu.memory_space<hbm>>, %arg8: memref<640xf32, #tpu.memory_space<hbm>>, %arg9: memref<80xf32, #tpu.memory_space<hbm>>, %arg10: memref<2x10240x128xf32, #tpu.memory_space<hbm>>, %arg11: memref<20480xf32, #tpu.memory_space<hbm>>, %arg12: memref<10240x128xf32, #tpu.memory_space<vmem_shared>>, %arg13: memref<10240xf32, #tpu.memory_space<vmem_shared>>, %arg14: memref<80xi32, #tpu.memory_space<vmem>>, %arg15: memref<80xi32, #tpu.memory_space<vmem>>, %arg16: memref<80xi32, #tpu.memory_space<vmem>>, %arg17: memref<80x128xf32, #tpu.memory_space<vmem>>, %arg18: memref<80x128xf32, #tpu.memory_space<vmem>>, %arg19: memref<80xi32, #tpu.memory_space<vmem>>, %arg20: memref<80xi32, #tpu.memory_space<vmem>>, %arg21: memref<80xi32, #tpu.memory_space<vmem>>, %arg22: memref<80x128xf32, #tpu.memory_space<vmem>>, %arg23: memref<80x128xf32, #tpu.memory_space<vmem>>, %arg24: memref<80xf32, #tpu.memory_space<vmem>>, %arg25: memref<32x128xf32, #tpu.memory_space<vmem>>, %arg26: memref<640xf32, #tpu.memory_space<vmem>>, %arg27: memref<!tpu.dma_semaphore, #tpu.memory_space<semaphore_mem>>, %arg28: memref<!tpu.dma_semaphore, #tpu.memory_space<semaphore_mem>>, %arg29: memref<!tpu.dma_semaphore, #tpu.memory_space<semaphore_mem>>, %arg30: memref<!tpu.dma_semaphore, #tpu.memory_space<semaphore_mem>>, %arg31: memref<!tpu.dma_semaphore, #tpu.memory_space<semaphore_mem>>, %arg32: memref<!tpu.dma_semaphore, #tpu.memory_space<semaphore_mem>>, %arg33: memref<!tpu.dma_semaphore, #tpu.memory_space<semaphore_mem>>) attributes {dimension_semantics = [#tpu.dimension_semantics<core_parallel>, #tpu.dimension_semantics<subcore_parallel>], iteration_bounds = array<i64: 2, 16>, scalar_prefetch = 0 : i64, scratch_operands = 22 : i64, tpu.core_type = #tpu.core_type<sc_vector_subcore>, window_params = [{transform_indices = #map}, {transform_indices = #map}, {transform_indices = #map1}, {transform_indices = #map1}, {transform_indices = #map1}, {transform_indices = #map}, {transform_indices = #map1}, {transform_indices = #map1}, {transform_indices = #map2}, {transform_indices = #map1}]} {
    %mul3A = arith.constant 16 : i32
    %mul3A_0 = arith.muli %arg0, %mul3A : i32
    %add3A = arith.addi %mul3A_0, %arg1 : i32
    %mul3A_1 = arith.constant 10080 : i32
    %mul3A_2 = arith.muli %add3A, %mul3A_1 : i32
    %mul3A_3 = arith.constant 640 : i32
    %mul3A_4 = arith.muli %arg1, %mul3A_3 : i32
    "tpu.region"() ({
      %run_scoped3A = tpu.sem_alloc : memref<!tpu.dma_semaphore, #tpu.memory_space<semaphore_mem>>
      tpu.enqueue_dma source(%arg7 : memref<32x128xf32, #tpu.memory_space<hbm>>) target(%arg25 : memref<32x128xf32, #tpu.memory_space<vmem>>) target_semaphore(%run_scoped3A : memref<!tpu.dma_semaphore, #tpu.memory_space<semaphore_mem>>)
      tpu.wait_dma2 semaphore(%run_scoped3A : memref<!tpu.dma_semaphore, #tpu.memory_space<semaphore_mem>>) src(%arg7 : memref<32x128xf32, #tpu.memory_space<hbm>>) dst(%arg25 : memref<32x128xf32, #tpu.memory_space<vmem>>)
      tpu.yield
    }) : () -> ()
    "tpu.region"() ({
      %run_scoped3A = tpu.sem_alloc : memref<!tpu.dma_semaphore, #tpu.memory_space<semaphore_mem>>
      tpu.enqueue_dma source(%arg8 : memref<640xf32, #tpu.memory_space<hbm>>) target(%arg26 : memref<640xf32, #tpu.memory_space<vmem>>) target_semaphore(%run_scoped3A : memref<!tpu.dma_semaphore, #tpu.memory_space<semaphore_mem>>)
      tpu.wait_dma2 semaphore(%run_scoped3A : memref<!tpu.dma_semaphore, #tpu.memory_space<semaphore_mem>>) src(%arg8 : memref<640xf32, #tpu.memory_space<hbm>>) dst(%arg26 : memref<640xf32, #tpu.memory_space<vmem>>)
      tpu.yield
    }) : () -> ()
    "tpu.region"() ({
      %run_scoped3A = tpu.sem_alloc : memref<!tpu.dma_semaphore, #tpu.memory_space<semaphore_mem>>
      tpu.enqueue_dma source(%arg9 : memref<80xf32, #tpu.memory_space<hbm>>) target(%arg24 : memref<80xf32, #tpu.memory_space<vmem>>) target_semaphore(%run_scoped3A : memref<!tpu.dma_semaphore, #tpu.memory_space<semaphore_mem>>)
      tpu.wait_dma2 semaphore(%run_scoped3A : memref<!tpu.dma_semaphore, #tpu.memory_space<semaphore_mem>>) src(%arg9 : memref<80xf32, #tpu.memory_space<hbm>>) dst(%arg24 : memref<80xf32, #tpu.memory_space<vmem>>)
      tpu.yield
    }) : () -> ()
    %scan3A = arith.constant 0 : i32
    %scan3A_5 = arith.constant 0 : i32
    %scan3A_6 = arith.constant 20 : i32
    %scan3A_7 = arith.addi %scan3A_5, %scan3A_6 : i32
    %scan3A_8 = arith.constant 1 : i32
    scf.for %scan3A_86 = %scan3A_5 to %scan3A_7 step %scan3A_8  : i32 {
      %mul3A_87 = arith.constant 32 : i32
      %mul3A_88 = arith.muli %scan3A_86, %mul3A_87 : i32
      %add3A_89 = arith.addi %mul3A_4, %mul3A_88 : i32
      "tpu.region"() ({
        %run_scoped3A = tpu.sem_alloc : memref<!tpu.dma_semaphore, #tpu.memory_space<semaphore_mem>>
        %dma_start3A_90 = arith.constant 0 : i32
        %dma_start3A_91 = tpu.memref_slice %arg12[%add3A_89, %dma_start3A_90] : memref<10240x128xf32, #tpu.memory_space<vmem_shared>> -> memref<32x128xf32, #tpu.memory_space<vmem_shared>>
        %dma_start3A_92 = arith.constant 0 : i32
        %dma_start3A_93 = tpu.memref_slice %arg12[%add3A_89, %dma_start3A_92] : memref<10240x128xf32, #tpu.memory_space<vmem_shared>> -> memref<32x128xf32, #tpu.memory_space<vmem_shared>>
        tpu.enqueue_dma source(%arg25 : memref<32x128xf32, #tpu.memory_space<vmem>>) target(%dma_start3A_93 : memref<32x128xf32, #tpu.memory_space<vmem_shared>>) target_semaphore(%run_scoped3A : memref<!tpu.dma_semaphore, #tpu.memory_space<semaphore_mem>>)
        %dma_wait3A_94 = arith.constant 0 : i32
        %dma_wait3A_95 = tpu.memref_slice %arg12[%add3A_89, %dma_wait3A_94] : memref<10240x128xf32, #tpu.memory_space<vmem_shared>> -> memref<32x128xf32, #tpu.memory_space<vmem_shared>>
        %dma_wait3A_96 = arith.constant 0 : i32
        %dma_wait3A_97 = tpu.memref_slice %arg12[%add3A_89, %dma_wait3A_96] : memref<10240x128xf32, #tpu.memory_space<vmem_shared>> -> memref<32x128xf32, #tpu.memory_space<vmem_shared>>
        tpu.wait_dma2 semaphore(%run_scoped3A : memref<!tpu.dma_semaphore, #tpu.memory_space<semaphore_mem>>) src(%arg25 : memref<32x128xf32, #tpu.memory_space<vmem>>) dst(%dma_wait3A_97 : memref<32x128xf32, #tpu.memory_space<vmem_shared>>)
        tpu.yield
      }) : () -> ()
    }
    %scan3A_9 = arith.constant 20 : i32
    "tpu.region"() ({
      %run_scoped3A = tpu.sem_alloc : memref<!tpu.dma_semaphore, #tpu.memory_space<semaphore_mem>>
      %dma_start3A_86 = tpu.memref_slice %arg13[%mul3A_4] : memref<10240xf32, #tpu.memory_space<vmem_shared>> -> memref<640xf32, #tpu.memory_space<vmem_shared>>
      %dma_start3A_87 = tpu.memref_slice %arg13[%mul3A_4] : memref<10240xf32, #tpu.memory_space<vmem_shared>> -> memref<640xf32, #tpu.memory_space<vmem_shared>>
      tpu.enqueue_dma source(%arg26 : memref<640xf32, #tpu.memory_space<vmem>>) target(%dma_start3A_87 : memref<640xf32, #tpu.memory_space<vmem_shared>>) target_semaphore(%run_scoped3A : memref<!tpu.dma_semaphore, #tpu.memory_space<semaphore_mem>>)
      %dma_wait3A_88 = tpu.memref_slice %arg13[%mul3A_4] : memref<10240xf32, #tpu.memory_space<vmem_shared>> -> memref<640xf32, #tpu.memory_space<vmem_shared>>
      %dma_wait3A_89 = tpu.memref_slice %arg13[%mul3A_4] : memref<10240xf32, #tpu.memory_space<vmem_shared>> -> memref<640xf32, #tpu.memory_space<vmem_shared>>
      tpu.wait_dma2 semaphore(%run_scoped3A : memref<!tpu.dma_semaphore, #tpu.memory_space<semaphore_mem>>) src(%arg26 : memref<640xf32, #tpu.memory_space<vmem>>) dst(%dma_wait3A_89 : memref<640xf32, #tpu.memory_space<vmem_shared>>)
      tpu.yield
    }) : () -> ()
    %barrier3A = arith.constant 0 : index
    tpu.barrier barrier_id(%barrier3A)
    %add3A_10 = arith.constant 0 : i32
    %add3A_11 = arith.addi %mul3A_2, %add3A_10 : i32
    "tpu.region"() ({
      %run_scoped3A = tpu.sem_alloc : memref<!tpu.dma_semaphore, #tpu.memory_space<semaphore_mem>>
      %dma_start3A_86 = tpu.memref_slice %arg4[%add3A_11] : memref<322560xi32, #tpu.memory_space<hbm>> -> memref<80xi32, #tpu.memory_space<hbm>>
      %dma_start3A_87 = tpu.memref_slice %arg4[%add3A_11] : memref<322560xi32, #tpu.memory_space<hbm>> -> memref<80xi32, #tpu.memory_space<hbm>>
      tpu.enqueue_dma source(%dma_start3A_87 : memref<80xi32, #tpu.memory_space<hbm>>) target(%arg14 : memref<80xi32, #tpu.memory_space<vmem>>) target_semaphore(%run_scoped3A : memref<!tpu.dma_semaphore, #tpu.memory_space<semaphore_mem>>)
      %dma_wait3A_88 = tpu.memref_slice %arg4[%add3A_11] : memref<322560xi32, #tpu.memory_space<hbm>> -> memref<80xi32, #tpu.memory_space<hbm>>
      %dma_wait3A_89 = tpu.memref_slice %arg4[%add3A_11] : memref<322560xi32, #tpu.memory_space<hbm>> -> memref<80xi32, #tpu.memory_space<hbm>>
      tpu.wait_dma2 semaphore(%run_scoped3A : memref<!tpu.dma_semaphore, #tpu.memory_space<semaphore_mem>>) src(%dma_wait3A_89 : memref<80xi32, #tpu.memory_space<hbm>>) dst(%arg14 : memref<80xi32, #tpu.memory_space<vmem>>)
      tpu.yield
    }) : () -> ()
    "tpu.region"() ({
      %run_scoped3A = tpu.sem_alloc : memref<!tpu.dma_semaphore, #tpu.memory_space<semaphore_mem>>
      %dma_start3A_86 = tpu.memref_slice %arg5[%add3A_11] : memref<322560xi32, #tpu.memory_space<hbm>> -> memref<80xi32, #tpu.memory_space<hbm>>
      %dma_start3A_87 = tpu.memref_slice %arg5[%add3A_11] : memref<322560xi32, #tpu.memory_space<hbm>> -> memref<80xi32, #tpu.memory_space<hbm>>
      tpu.enqueue_dma source(%dma_start3A_87 : memref<80xi32, #tpu.memory_space<hbm>>) target(%arg15 : memref<80xi32, #tpu.memory_space<vmem>>) target_semaphore(%run_scoped3A : memref<!tpu.dma_semaphore, #tpu.memory_space<semaphore_mem>>)
      %dma_wait3A_88 = tpu.memref_slice %arg5[%add3A_11] : memref<322560xi32, #tpu.memory_space<hbm>> -> memref<80xi32, #tpu.memory_space<hbm>>
      %dma_wait3A_89 = tpu.memref_slice %arg5[%add3A_11] : memref<322560xi32, #tpu.memory_space<hbm>> -> memref<80xi32, #tpu.memory_space<hbm>>
      tpu.wait_dma2 semaphore(%run_scoped3A : memref<!tpu.dma_semaphore, #tpu.memory_space<semaphore_mem>>) src(%dma_wait3A_89 : memref<80xi32, #tpu.memory_space<hbm>>) dst(%arg15 : memref<80xi32, #tpu.memory_space<vmem>>)
      tpu.yield
    }) : () -> ()
    "tpu.region"() ({
      %run_scoped3A = tpu.sem_alloc : memref<!tpu.dma_semaphore, #tpu.memory_space<semaphore_mem>>
      %dma_start3A_86 = tpu.memref_slice %arg6[%add3A_11] : memref<322560xi32, #tpu.memory_space<hbm>> -> memref<80xi32, #tpu.memory_space<hbm>>
      %dma_start3A_87 = tpu.memref_slice %arg6[%add3A_11] : memref<322560xi32, #tpu.memory_space<hbm>> -> memref<80xi32, #tpu.memory_space<hbm>>
      tpu.enqueue_dma source(%dma_start3A_87 : memref<80xi32, #tpu.memory_space<hbm>>) target(%arg16 : memref<80xi32, #tpu.memory_space<vmem>>) target_semaphore(%run_scoped3A : memref<!tpu.dma_semaphore, #tpu.memory_space<semaphore_mem>>)
      %dma_wait3A_88 = tpu.memref_slice %arg6[%add3A_11] : memref<322560xi32, #tpu.memory_space<hbm>> -> memref<80xi32, #tpu.memory_space<hbm>>
      %dma_wait3A_89 = tpu.memref_slice %arg6[%add3A_11] : memref<322560xi32, #tpu.memory_space<hbm>> -> memref<80xi32, #tpu.memory_space<hbm>>
      tpu.wait_dma2 semaphore(%run_scoped3A : memref<!tpu.dma_semaphore, #tpu.memory_space<semaphore_mem>>) src(%dma_wait3A_89 : memref<80xi32, #tpu.memory_space<hbm>>) dst(%arg16 : memref<80xi32, #tpu.memory_space<vmem>>)
      tpu.yield
    }) : () -> ()
    %dma_start3A = arith.constant 0 : i32
    %dma_start3A_12 = arith.constant 0 : i32
    %dma_start3A_13 = tpu.memref_slice %arg2[%dma_start3A, %dma_start3A_12] : memref<10000x128xf32, #tpu.memory_space<hbm>> -> memref<10000x128xf32, #tpu.memory_space<hbm>>
    tpu.enqueue_indirect_dma source(%dma_start3A_13 : memref<10000x128xf32, #tpu.memory_space<hbm>>) target(%arg17 : memref<80x128xf32, #tpu.memory_space<vmem>>) offsets(%arg14 : memref<80xi32, #tpu.memory_space<vmem>>) semaphore(%arg27 : memref<!tpu.dma_semaphore, #tpu.memory_space<semaphore_mem>>)
    %dma_start3A_14 = arith.constant 0 : i32
    %dma_start3A_15 = arith.constant 0 : i32
    %dma_start3A_16 = tpu.memref_slice %arg3[%dma_start3A_14, %dma_start3A_15] : memref<320000x128xf32, #tpu.memory_space<hbm>> -> memref<320000x128xf32, #tpu.memory_space<hbm>>
    tpu.enqueue_indirect_dma source(%dma_start3A_16 : memref<320000x128xf32, #tpu.memory_space<hbm>>) target(%arg18 : memref<80x128xf32, #tpu.memory_space<vmem>>) offsets(%arg15 : memref<80xi32, #tpu.memory_space<vmem>>) semaphore(%arg28 : memref<!tpu.dma_semaphore, #tpu.memory_space<semaphore_mem>>)
    %add3A_17 = arith.constant 80 : i32
    %add3A_18 = arith.addi %mul3A_2, %add3A_17 : i32
    "tpu.region"() ({
      %run_scoped3A = tpu.sem_alloc : memref<!tpu.dma_semaphore, #tpu.memory_space<semaphore_mem>>
      %dma_start3A_86 = tpu.memref_slice %arg4[%add3A_18] : memref<322560xi32, #tpu.memory_space<hbm>> -> memref<80xi32, #tpu.memory_space<hbm>>
      %dma_start3A_87 = tpu.memref_slice %arg4[%add3A_18] : memref<322560xi32, #tpu.memory_space<hbm>> -> memref<80xi32, #tpu.memory_space<hbm>>
      tpu.enqueue_dma source(%dma_start3A_87 : memref<80xi32, #tpu.memory_space<hbm>>) target(%arg19 : memref<80xi32, #tpu.memory_space<vmem>>) target_semaphore(%run_scoped3A : memref<!tpu.dma_semaphore, #tpu.memory_space<semaphore_mem>>)
      %dma_wait3A_88 = tpu.memref_slice %arg4[%add3A_18] : memref<322560xi32, #tpu.memory_space<hbm>> -> memref<80xi32, #tpu.memory_space<hbm>>
      %dma_wait3A_89 = tpu.memref_slice %arg4[%add3A_18] : memref<322560xi32, #tpu.memory_space<hbm>> -> memref<80xi32, #tpu.memory_space<hbm>>
      tpu.wait_dma2 semaphore(%run_scoped3A : memref<!tpu.dma_semaphore, #tpu.memory_space<semaphore_mem>>) src(%dma_wait3A_89 : memref<80xi32, #tpu.memory_space<hbm>>) dst(%arg19 : memref<80xi32, #tpu.memory_space<vmem>>)
      tpu.yield
    }) : () -> ()
    "tpu.region"() ({
      %run_scoped3A = tpu.sem_alloc : memref<!tpu.dma_semaphore, #tpu.memory_space<semaphore_mem>>
      %dma_start3A_86 = tpu.memref_slice %arg5[%add3A_18] : memref<322560xi32, #tpu.memory_space<hbm>> -> memref<80xi32, #tpu.memory_space<hbm>>
      %dma_start3A_87 = tpu.memref_slice %arg5[%add3A_18] : memref<322560xi32, #tpu.memory_space<hbm>> -> memref<80xi32, #tpu.memory_space<hbm>>
      tpu.enqueue_dma source(%dma_start3A_87 : memref<80xi32, #tpu.memory_space<hbm>>) target(%arg20 : memref<80xi32, #tpu.memory_space<vmem>>) target_semaphore(%run_scoped3A : memref<!tpu.dma_semaphore, #tpu.memory_space<semaphore_mem>>)
      %dma_wait3A_88 = tpu.memref_slice %arg5[%add3A_18] : memref<322560xi32, #tpu.memory_space<hbm>> -> memref<80xi32, #tpu.memory_space<hbm>>
      %dma_wait3A_89 = tpu.memref_slice %arg5[%add3A_18] : memref<322560xi32, #tpu.memory_space<hbm>> -> memref<80xi32, #tpu.memory_space<hbm>>
      tpu.wait_dma2 semaphore(%run_scoped3A : memref<!tpu.dma_semaphore, #tpu.memory_space<semaphore_mem>>) src(%dma_wait3A_89 : memref<80xi32, #tpu.memory_space<hbm>>) dst(%arg20 : memref<80xi32, #tpu.memory_space<vmem>>)
      tpu.yield
    }) : () -> ()
    "tpu.region"() ({
      %run_scoped3A = tpu.sem_alloc : memref<!tpu.dma_semaphore, #tpu.memory_space<semaphore_mem>>
      %dma_start3A_86 = tpu.memref_slice %arg6[%add3A_18] : memref<322560xi32, #tpu.memory_space<hbm>> -> memref<80xi32, #tpu.memory_space<hbm>>
      %dma_start3A_87 = tpu.memref_slice %arg6[%add3A_18] : memref<322560xi32, #tpu.memory_space<hbm>> -> memref<80xi32, #tpu.memory_space<hbm>>
      tpu.enqueue_dma source(%dma_start3A_87 : memref<80xi32, #tpu.memory_space<hbm>>) target(%arg21 : memref<80xi32, #tpu.memory_space<vmem>>) target_semaphore(%run_scoped3A : memref<!tpu.dma_semaphore, #tpu.memory_space<semaphore_mem>>)
      %dma_wait3A_88 = tpu.memref_slice %arg6[%add3A_18] : memref<322560xi32, #tpu.memory_space<hbm>> -> memref<80xi32, #tpu.memory_space<hbm>>
      %dma_wait3A_89 = tpu.memref_slice %arg6[%add3A_18] : memref<322560xi32, #tpu.memory_space<hbm>> -> memref<80xi32, #tpu.memory_space<hbm>>
      tpu.wait_dma2 semaphore(%run_scoped3A : memref<!tpu.dma_semaphore, #tpu.memory_space<semaphore_mem>>) src(%dma_wait3A_89 : memref<80xi32, #tpu.memory_space<hbm>>) dst(%arg21 : memref<80xi32, #tpu.memory_space<vmem>>)
      tpu.yield
    }) : () -> ()
    %dma_start3A_19 = arith.constant 0 : i32
    %dma_start3A_20 = arith.constant 0 : i32
    %dma_start3A_21 = tpu.memref_slice %arg2[%dma_start3A_19, %dma_start3A_20] : memref<10000x128xf32, #tpu.memory_space<hbm>> -> memref<10000x128xf32, #tpu.memory_space<hbm>>
    tpu.enqueue_indirect_dma source(%dma_start3A_21 : memref<10000x128xf32, #tpu.memory_space<hbm>>) target(%arg22 : memref<80x128xf32, #tpu.memory_space<vmem>>) offsets(%arg19 : memref<80xi32, #tpu.memory_space<vmem>>) semaphore(%arg29 : memref<!tpu.dma_semaphore, #tpu.memory_space<semaphore_mem>>)
    %dma_start3A_22 = arith.constant 0 : i32
    %dma_start3A_23 = arith.constant 0 : i32
    %dma_start3A_24 = tpu.memref_slice %arg3[%dma_start3A_22, %dma_start3A_23] : memref<320000x128xf32, #tpu.memory_space<hbm>> -> memref<320000x128xf32, #tpu.memory_space<hbm>>
    tpu.enqueue_indirect_dma source(%dma_start3A_24 : memref<320000x128xf32, #tpu.memory_space<hbm>>) target(%arg23 : memref<80x128xf32, #tpu.memory_space<vmem>>) offsets(%arg20 : memref<80xi32, #tpu.memory_space<vmem>>) semaphore(%arg30 : memref<!tpu.dma_semaphore, #tpu.memory_space<semaphore_mem>>)
    %scan3A_25 = arith.constant 0 : i32
    %scan3A_26 = arith.constant 0 : i32
    %scan3A_27 = arith.constant 62 : i32
    %scan3A_28 = arith.addi %scan3A_26, %scan3A_27 : i32
    %scan3A_29 = arith.constant 1 : i32
    scf.for %scan3A_86 = %scan3A_26 to %scan3A_28 step %scan3A_29  : i32 {
      %dma_wait3A_87 = arith.constant 0 : i32
      %dma_wait3A_88 = arith.constant 0 : i32
      %dma_wait3A_89 = tpu.memref_slice %arg2[%dma_wait3A_87, %dma_wait3A_88] : memref<10000x128xf32, #tpu.memory_space<hbm>> -> memref<10000x128xf32, #tpu.memory_space<hbm>>
      tpu.wait_indirect_dma semaphore(%arg27 : memref<!tpu.dma_semaphore, #tpu.memory_space<semaphore_mem>>) src(%dma_wait3A_89 : memref<10000x128xf32, #tpu.memory_space<hbm>>) dst(%arg17 : memref<80x128xf32, #tpu.memory_space<vmem>>)
      %dma_wait3A_90 = arith.constant 0 : i32
      %dma_wait3A_91 = arith.constant 0 : i32
      %dma_wait3A_92 = tpu.memref_slice %arg3[%dma_wait3A_90, %dma_wait3A_91] : memref<320000x128xf32, #tpu.memory_space<hbm>> -> memref<320000x128xf32, #tpu.memory_space<hbm>>
      tpu.wait_indirect_dma semaphore(%arg28 : memref<!tpu.dma_semaphore, #tpu.memory_space<semaphore_mem>>) src(%dma_wait3A_92 : memref<320000x128xf32, #tpu.memory_space<hbm>>) dst(%arg18 : memref<80x128xf32, #tpu.memory_space<vmem>>)
      %dma_start3A_93 = arith.constant 0 : i32
      %dma_start3A_94 = arith.constant 0 : i32
      %dma_start3A_95 = tpu.memref_slice %arg12[%dma_start3A_93, %dma_start3A_94] : memref<10240x128xf32, #tpu.memory_space<vmem_shared>> -> memref<10240x128xf32, #tpu.memory_space<vmem_shared>>
      tpu.enqueue_indirect_dma source(%arg17 : memref<80x128xf32, #tpu.memory_space<vmem>>) target(%dma_start3A_95 : memref<10240x128xf32, #tpu.memory_space<vmem_shared>>) offsets(%arg16 : memref<80xi32, #tpu.memory_space<vmem>>) semaphore(%arg31 : memref<!tpu.dma_semaphore, #tpu.memory_space<semaphore_mem>>) {add = true}
      %dma_start3A_96 = arith.constant 0 : i32
      %dma_start3A_97 = arith.constant 0 : i32
      %dma_start3A_98 = tpu.memref_slice %arg12[%dma_start3A_96, %dma_start3A_97] : memref<10240x128xf32, #tpu.memory_space<vmem_shared>> -> memref<10240x128xf32, #tpu.memory_space<vmem_shared>>
      tpu.enqueue_indirect_dma source(%arg18 : memref<80x128xf32, #tpu.memory_space<vmem>>) target(%dma_start3A_98 : memref<10240x128xf32, #tpu.memory_space<vmem_shared>>) offsets(%arg16 : memref<80xi32, #tpu.memory_space<vmem>>) semaphore(%arg31 : memref<!tpu.dma_semaphore, #tpu.memory_space<semaphore_mem>>) {add = true}
      %dma_start3A_99 = arith.constant 0 : i32
      %dma_start3A_100 = tpu.memref_slice %arg13[%dma_start3A_99] : memref<10240xf32, #tpu.memory_space<vmem_shared>> -> memref<10240xf32, #tpu.memory_space<vmem_shared>>
      tpu.enqueue_indirect_dma source(%arg24 : memref<80xf32, #tpu.memory_space<vmem>>) target(%dma_start3A_100 : memref<10240xf32, #tpu.memory_space<vmem_shared>>) offsets(%arg16 : memref<80xi32, #tpu.memory_space<vmem>>) semaphore(%arg33 : memref<!tpu.dma_semaphore, #tpu.memory_space<semaphore_mem>>) {add = true}
      %dma_wait3A_101 = arith.constant 0 : i32
      %dma_wait3A_102 = arith.constant 0 : i32
      %dma_wait3A_103 = tpu.memref_slice %arg2[%dma_wait3A_101, %dma_wait3A_102] : memref<10000x128xf32, #tpu.memory_space<hbm>> -> memref<10000x128xf32, #tpu.memory_space<hbm>>
      tpu.wait_indirect_dma semaphore(%arg29 : memref<!tpu.dma_semaphore, #tpu.memory_space<semaphore_mem>>) src(%dma_wait3A_103 : memref<10000x128xf32, #tpu.memory_space<hbm>>) dst(%arg22 : memref<80x128xf32, #tpu.memory_space<vmem>>)
      %dma_wait3A_104 = arith.constant 0 : i32
      %dma_wait3A_105 = arith.constant 0 : i32
      %dma_wait3A_106 = tpu.memref_slice %arg3[%dma_wait3A_104, %dma_wait3A_105] : memref<320000x128xf32, #tpu.memory_space<hbm>> -> memref<320000x128xf32, #tpu.memory_space<hbm>>
      tpu.wait_indirect_dma semaphore(%arg30 : memref<!tpu.dma_semaphore, #tpu.memory_space<semaphore_mem>>) src(%dma_wait3A_106 : memref<320000x128xf32, #tpu.memory_space<hbm>>) dst(%arg23 : memref<80x128xf32, #tpu.memory_space<vmem>>)
      %dma_start3A_107 = arith.constant 0 : i32
      %dma_start3A_108 = arith.constant 0 : i32
      %dma_start3A_109 = tpu.memref_slice %arg12[%dma_start3A_107, %dma_start3A_108] : memref<10240x128xf32, #tpu.memory_space<vmem_shared>> -> memref<10240x128xf32, #tpu.memory_space<vmem_shared>>
      tpu.enqueue_indirect_dma source(%arg22 : memref<80x128xf32, #tpu.memory_space<vmem>>) target(%dma_start3A_109 : memref<10240x128xf32, #tpu.memory_space<vmem_shared>>) offsets(%arg21 : memref<80xi32, #tpu.memory_space<vmem>>) semaphore(%arg32 : memref<!tpu.dma_semaphore, #tpu.memory_space<semaphore_mem>>) {add = true}
      %dma_start3A_110 = arith.constant 0 : i32
      %dma_start3A_111 = arith.constant 0 : i32
      %dma_start3A_112 = tpu.memref_slice %arg12[%dma_start3A_110, %dma_start3A_111] : memref<10240x128xf32, #tpu.memory_space<vmem_shared>> -> memref<10240x128xf32, #tpu.memory_space<vmem_shared>>
      tpu.enqueue_indirect_dma source(%arg23 : memref<80x128xf32, #tpu.memory_space<vmem>>) target(%dma_start3A_112 : memref<10240x128xf32, #tpu.memory_space<vmem_shared>>) offsets(%arg21 : memref<80xi32, #tpu.memory_space<vmem>>) semaphore(%arg32 : memref<!tpu.dma_semaphore, #tpu.memory_space<semaphore_mem>>) {add = true}
      %dma_start3A_113 = arith.constant 0 : i32
      %dma_start3A_114 = tpu.memref_slice %arg13[%dma_start3A_113] : memref<10240xf32, #tpu.memory_space<vmem_shared>> -> memref<10240xf32, #tpu.memory_space<vmem_shared>>
      tpu.enqueue_indirect_dma source(%arg24 : memref<80xf32, #tpu.memory_space<vmem>>) target(%dma_start3A_114 : memref<10240xf32, #tpu.memory_space<vmem_shared>>) offsets(%arg21 : memref<80xi32, #tpu.memory_space<vmem>>) semaphore(%arg33 : memref<!tpu.dma_semaphore, #tpu.memory_space<semaphore_mem>>) {add = true}
      %dma_wait3A_115 = arith.constant 0 : i32
      %dma_wait3A_116 = arith.constant 0 : i32
      %dma_wait3A_117 = tpu.memref_slice %arg12[%dma_wait3A_115, %dma_wait3A_116] : memref<10240x128xf32, #tpu.memory_space<vmem_shared>> -> memref<10240x128xf32, #tpu.memory_space<vmem_shared>>
      tpu.wait_indirect_dma semaphore(%arg31 : memref<!tpu.dma_semaphore, #tpu.memory_space<semaphore_mem>>) src(%arg17 : memref<80x128xf32, #tpu.memory_space<vmem>>) dst(%dma_wait3A_117 : memref<10240x128xf32, #tpu.memory_space<vmem_shared>>)
      %dma_wait3A_118 = arith.constant 0 : i32
      %dma_wait3A_119 = arith.constant 0 : i32
      %dma_wait3A_120 = tpu.memref_slice %arg12[%dma_wait3A_118, %dma_wait3A_119] : memref<10240x128xf32, #tpu.memory_space<vmem_shared>> -> memref<10240x128xf32, #tpu.memory_space<vmem_shared>>
      tpu.wait_indirect_dma semaphore(%arg31 : memref<!tpu.dma_semaphore, #tpu.memory_space<semaphore_mem>>) src(%arg18 : memref<80x128xf32, #tpu.memory_space<vmem>>) dst(%dma_wait3A_120 : memref<10240x128xf32, #tpu.memory_space<vmem_shared>>)
      %mul3A_121 = arith.constant 2 : i32
      %mul3A_122 = arith.muli %mul3A_121, %scan3A_86 : i32
      %add3A_123 = arith.constant 2 : i32
      %add3A_124 = arith.addi %mul3A_122, %add3A_123 : i32
      %mul3A_125 = arith.constant 80 : i32
      %mul3A_126 = arith.muli %add3A_124, %mul3A_125 : i32
      %add3A_127 = arith.addi %mul3A_2, %mul3A_126 : i32
      "tpu.region"() ({
        %run_scoped3A = tpu.sem_alloc : memref<!tpu.dma_semaphore, #tpu.memory_space<semaphore_mem>>
        %dma_start3A_153 = tpu.memref_slice %arg4[%add3A_127] : memref<322560xi32, #tpu.memory_space<hbm>> -> memref<80xi32, #tpu.memory_space<hbm>>
        %dma_start3A_154 = tpu.memref_slice %arg4[%add3A_127] : memref<322560xi32, #tpu.memory_space<hbm>> -> memref<80xi32, #tpu.memory_space<hbm>>
        tpu.enqueue_dma source(%dma_start3A_154 : memref<80xi32, #tpu.memory_space<hbm>>) target(%arg14 : memref<80xi32, #tpu.memory_space<vmem>>) target_semaphore(%run_scoped3A : memref<!tpu.dma_semaphore, #tpu.memory_space<semaphore_mem>>)
        %dma_wait3A_155 = tpu.memref_slice %arg4[%add3A_127] : memref<322560xi32, #tpu.memory_space<hbm>> -> memref<80xi32, #tpu.memory_space<hbm>>
        %dma_wait3A_156 = tpu.memref_slice %arg4[%add3A_127] : memref<322560xi32, #tpu.memory_space<hbm>> -> memref<80xi32, #tpu.memory_space<hbm>>
        tpu.wait_dma2 semaphore(%run_scoped3A : memref<!tpu.dma_semaphore, #tpu.memory_space<semaphore_mem>>) src(%dma_wait3A_156 : memref<80xi32, #tpu.memory_space<hbm>>) dst(%arg14 : memref<80xi32, #tpu.memory_space<vmem>>)
        tpu.yield
      }) : () -> ()
      "tpu.region"() ({
        %run_scoped3A = tpu.sem_alloc : memref<!tpu.dma_semaphore, #tpu.memory_space<semaphore_mem>>
        %dma_start3A_153 = tpu.memref_slice %arg5[%add3A_127] : memref<322560xi32, #tpu.memory_space<hbm>> -> memref<80xi32, #tpu.memory_space<hbm>>
        %dma_start3A_154 = tpu.memref_slice %arg5[%add3A_127] : memref<322560xi32, #tpu.memory_space<hbm>> -> memref<80xi32, #tpu.memory_space<hbm>>
        tpu.enqueue_dma source(%dma_start3A_154 : memref<80xi32, #tpu.memory_space<hbm>>) target(%arg15 : memref<80xi32, #tpu.memory_space<vmem>>) target_semaphore(%run_scoped3A : memref<!tpu.dma_semaphore, #tpu.memory_space<semaphore_mem>>)
        %dma_wait3A_155 = tpu.memref_slice %arg5[%add3A_127] : memref<322560xi32, #tpu.memory_space<hbm>> -> memref<80xi32, #tpu.memory_space<hbm>>
        %dma_wait3A_156 = tpu.memref_slice %arg5[%add3A_127] : memref<322560xi32, #tpu.memory_space<hbm>> -> memref<80xi32, #tpu.memory_space<hbm>>
        tpu.wait_dma2 semaphore(%run_scoped3A : memref<!tpu.dma_semaphore, #tpu.memory_space<semaphore_mem>>) src(%dma_wait3A_156 : memref<80xi32, #tpu.memory_space<hbm>>) dst(%arg15 : memref<80xi32, #tpu.memory_space<vmem>>)
        tpu.yield
      }) : () -> ()
      "tpu.region"() ({
        %run_scoped3A = tpu.sem_alloc : memref<!tpu.dma_semaphore, #tpu.memory_space<semaphore_mem>>
        %dma_start3A_153 = tpu.memref_slice %arg6[%add3A_127] : memref<322560xi32, #tpu.memory_space<hbm>> -> memref<80xi32, #tpu.memory_space<hbm>>
        %dma_start3A_154 = tpu.memref_slice %arg6[%add3A_127] : memref<322560xi32, #tpu.memory_space<hbm>> -> memref<80xi32, #tpu.memory_space<hbm>>
        tpu.enqueue_dma source(%dma_start3A_154 : memref<80xi32, #tpu.memory_space<hbm>>) target(%arg16 : memref<80xi32, #tpu.memory_space<vmem>>) target_semaphore(%run_scoped3A : memref<!tpu.dma_semaphore, #tpu.memory_space<semaphore_mem>>)
        %dma_wait3A_155 = tpu.memref_slice %arg6[%add3A_127] : memref<322560xi32, #tpu.memory_space<hbm>> -> memref<80xi32, #tpu.memory_space<hbm>>
        %dma_wait3A_156 = tpu.memref_slice %arg6[%add3A_127] : memref<322560xi32, #tpu.memory_space<hbm>> -> memref<80xi32, #tpu.memory_space<hbm>>
        tpu.wait_dma2 semaphore(%run_scoped3A : memref<!tpu.dma_semaphore, #tpu.memory_space<semaphore_mem>>) src(%dma_wait3A_156 : memref<80xi32, #tpu.memory_space<hbm>>) dst(%arg16 : memref<80xi32, #tpu.memory_space<vmem>>)
        tpu.yield
      }) : () -> ()
      %dma_start3A_128 = arith.constant 0 : i32
      %dma_start3A_129 = arith.constant 0 : i32
      %dma_start3A_130 = tpu.memref_slice %arg2[%dma_start3A_128, %dma_start3A_129] : memref<10000x128xf32, #tpu.memory_space<hbm>> -> memref<10000x128xf32, #tpu.memory_space<hbm>>
      tpu.enqueue_indirect_dma source(%dma_start3A_130 : memref<10000x128xf32, #tpu.memory_space<hbm>>) target(%arg17 : memref<80x128xf32, #tpu.memory_space<vmem>>) offsets(%arg14 : memref<80xi32, #tpu.memory_space<vmem>>) semaphore(%arg27 : memref<!tpu.dma_semaphore, #tpu.memory_space<semaphore_mem>>)
      %dma_start3A_131 = arith.constant 0 : i32
      %dma_start3A_132 = arith.constant 0 : i32
      %dma_start3A_133 = tpu.memref_slice %arg3[%dma_start3A_131, %dma_start3A_132] : memref<320000x128xf32, #tpu.memory_space<hbm>> -> memref<320000x128xf32, #tpu.memory_space<hbm>>
      tpu.enqueue_indirect_dma source(%dma_start3A_133 : memref<320000x128xf32, #tpu.memory_space<hbm>>) target(%arg18 : memref<80x128xf32, #tpu.memory_space<vmem>>) offsets(%arg15 : memref<80xi32, #tpu.memory_space<vmem>>) semaphore(%arg28 : memref<!tpu.dma_semaphore, #tpu.memory_space<semaphore_mem>>)
      %dma_wait3A_134 = arith.constant 0 : i32
      %dma_wait3A_135 = arith.constant 0 : i32
      %dma_wait3A_136 = tpu.memref_slice %arg12[%dma_wait3A_134, %dma_wait3A_135] : memref<10240x128xf32, #tpu.memory_space<vmem_shared>> -> memref<10240x128xf32, #tpu.memory_space<vmem_shared>>
      tpu.wait_indirect_dma semaphore(%arg32 : memref<!tpu.dma_semaphore, #tpu.memory_space<semaphore_mem>>) src(%arg22 : memref<80x128xf32, #tpu.memory_space<vmem>>) dst(%dma_wait3A_136 : memref<10240x128xf32, #tpu.memory_space<vmem_shared>>)
      %dma_wait3A_137 = arith.constant 0 : i32
      %dma_wait3A_138 = arith.constant 0 : i32
      %dma_wait3A_139 = tpu.memref_slice %arg12[%dma_wait3A_137, %dma_wait3A_138] : memref<10240x128xf32, #tpu.memory_space<vmem_shared>> -> memref<10240x128xf32, #tpu.memory_space<vmem_shared>>
      tpu.wait_indirect_dma semaphore(%arg32 : memref<!tpu.dma_semaphore, #tpu.memory_space<semaphore_mem>>) src(%arg23 : memref<80x128xf32, #tpu.memory_space<vmem>>) dst(%dma_wait3A_139 : memref<10240x128xf32, #tpu.memory_space<vmem_shared>>)
      %mul3A_140 = arith.constant 2 : i32
      %mul3A_141 = arith.muli %mul3A_140, %scan3A_86 : i32
      %add3A_142 = arith.constant 3 : i32
      %add3A_143 = arith.addi %mul3A_141, %add3A_142 : i32
      %mul3A_144 = arith.constant 80 : i32
      %mul3A_145 = arith.muli %add3A_143, %mul3A_144 : i32
      %add3A_146 = arith.addi %mul3A_2, %mul3A_145 : i32
      "tpu.region"() ({
        %run_scoped3A = tpu.sem_alloc : memref<!tpu.dma_semaphore, #tpu.memory_space<semaphore_mem>>
        %dma_start3A_153 = tpu.memref_slice %arg4[%add3A_146] : memref<322560xi32, #tpu.memory_space<hbm>> -> memref<80xi32, #tpu.memory_space<hbm>>
        %dma_start3A_154 = tpu.memref_slice %arg4[%add3A_146] : memref<322560xi32, #tpu.memory_space<hbm>> -> memref<80xi32, #tpu.memory_space<hbm>>
        tpu.enqueue_dma source(%dma_start3A_154 : memref<80xi32, #tpu.memory_space<hbm>>) target(%arg19 : memref<80xi32, #tpu.memory_space<vmem>>) target_semaphore(%run_scoped3A : memref<!tpu.dma_semaphore, #tpu.memory_space<semaphore_mem>>)
        %dma_wait3A_155 = tpu.memref_slice %arg4[%add3A_146] : memref<322560xi32, #tpu.memory_space<hbm>> -> memref<80xi32, #tpu.memory_space<hbm>>
        %dma_wait3A_156 = tpu.memref_slice %arg4[%add3A_146] : memref<322560xi32, #tpu.memory_space<hbm>> -> memref<80xi32, #tpu.memory_space<hbm>>
        tpu.wait_dma2 semaphore(%run_scoped3A : memref<!tpu.dma_semaphore, #tpu.memory_space<semaphore_mem>>) src(%dma_wait3A_156 : memref<80xi32, #tpu.memory_space<hbm>>) dst(%arg19 : memref<80xi32, #tpu.memory_space<vmem>>)
        tpu.yield
      }) : () -> ()
      "tpu.region"() ({
        %run_scoped3A = tpu.sem_alloc : memref<!tpu.dma_semaphore, #tpu.memory_space<semaphore_mem>>
        %dma_start3A_153 = tpu.memref_slice %arg5[%add3A_146] : memref<322560xi32, #tpu.memory_space<hbm>> -> memref<80xi32, #tpu.memory_space<hbm>>
        %dma_start3A_154 = tpu.memref_slice %arg5[%add3A_146] : memref<322560xi32, #tpu.memory_space<hbm>> -> memref<80xi32, #tpu.memory_space<hbm>>
        tpu.enqueue_dma source(%dma_start3A_154 : memref<80xi32, #tpu.memory_space<hbm>>) target(%arg20 : memref<80xi32, #tpu.memory_space<vmem>>) target_semaphore(%run_scoped3A : memref<!tpu.dma_semaphore, #tpu.memory_space<semaphore_mem>>)
        %dma_wait3A_155 = tpu.memref_slice %arg5[%add3A_146] : memref<322560xi32, #tpu.memory_space<hbm>> -> memref<80xi32, #tpu.memory_space<hbm>>
        %dma_wait3A_156 = tpu.memref_slice %arg5[%add3A_146] : memref<322560xi32, #tpu.memory_space<hbm>> -> memref<80xi32, #tpu.memory_space<hbm>>
        tpu.wait_dma2 semaphore(%run_scoped3A : memref<!tpu.dma_semaphore, #tpu.memory_space<semaphore_mem>>) src(%dma_wait3A_156 : memref<80xi32, #tpu.memory_space<hbm>>) dst(%arg20 : memref<80xi32, #tpu.memory_space<vmem>>)
        tpu.yield
      }) : () -> ()
      "tpu.region"() ({
        %run_scoped3A = tpu.sem_alloc : memref<!tpu.dma_semaphore, #tpu.memory_space<semaphore_mem>>
        %dma_start3A_153 = tpu.memref_slice %arg6[%add3A_146] : memref<322560xi32, #tpu.memory_space<hbm>> -> memref<80xi32, #tpu.memory_space<hbm>>
        %dma_start3A_154 = tpu.memref_slice %arg6[%add3A_146] : memref<322560xi32, #tpu.memory_space<hbm>> -> memref<80xi32, #tpu.memory_space<hbm>>
        tpu.enqueue_dma source(%dma_start3A_154 : memref<80xi32, #tpu.memory_space<hbm>>) target(%arg21 : memref<80xi32, #tpu.memory_space<vmem>>) target_semaphore(%run_scoped3A : memref<!tpu.dma_semaphore, #tpu.memory_space<semaphore_mem>>)
        %dma_wait3A_155 = tpu.memref_slice %arg6[%add3A_146] : memref<322560xi32, #tpu.memory_space<hbm>> -> memref<80xi32, #tpu.memory_space<hbm>>
        %dma_wait3A_156 = tpu.memref_slice %arg6[%add3A_146] : memref<322560xi32, #tpu.memory_space<hbm>> -> memref<80xi32, #tpu.memory_space<hbm>>
        tpu.wait_dma2 semaphore(%run_scoped3A : memref<!tpu.dma_semaphore, #tpu.memory_space<semaphore_mem>>) src(%dma_wait3A_156 : memref<80xi32, #tpu.memory_space<hbm>>) dst(%arg21 : memref<80xi32, #tpu.memory_space<vmem>>)
        tpu.yield
      }) : () -> ()
      %dma_start3A_147 = arith.constant 0 : i32
      %dma_start3A_148 = arith.constant 0 : i32
      %dma_start3A_149 = tpu.memref_slice %arg2[%dma_start3A_147, %dma_start3A_148] : memref<10000x128xf32, #tpu.memory_space<hbm>> -> memref<10000x128xf32, #tpu.memory_space<hbm>>
      tpu.enqueue_indirect_dma source(%dma_start3A_149 : memref<10000x128xf32, #tpu.memory_space<hbm>>) target(%arg22 : memref<80x128xf32, #tpu.memory_space<vmem>>) offsets(%arg19 : memref<80xi32, #tpu.memory_space<vmem>>) semaphore(%arg29 : memref<!tpu.dma_semaphore, #tpu.memory_space<semaphore_mem>>)
      %dma_start3A_150 = arith.constant 0 : i32
      %dma_start3A_151 = arith.constant 0 : i32
      %dma_start3A_152 = tpu.memref_slice %arg3[%dma_start3A_150, %dma_start3A_151] : memref<320000x128xf32, #tpu.memory_space<hbm>> -> memref<320000x128xf32, #tpu.memory_space<hbm>>
      tpu.enqueue_indirect_dma source(%dma_start3A_152 : memref<320000x128xf32, #tpu.memory_space<hbm>>) target(%arg23 : memref<80x128xf32, #tpu.memory_space<vmem>>) offsets(%arg20 : memref<80xi32, #tpu.memory_space<vmem>>) semaphore(%arg30 : memref<!tpu.dma_semaphore, #tpu.memory_space<semaphore_mem>>)
    }
    %scan3A_30 = arith.constant 62 : i32
    %dma_wait3A = arith.constant 0 : i32
    %dma_wait3A_31 = arith.constant 0 : i32
    %dma_wait3A_32 = tpu.memref_slice %arg2[%dma_wait3A, %dma_wait3A_31] : memref<10000x128xf32, #tpu.memory_space<hbm>> -> memref<10000x128xf32, #tpu.memory_space<hbm>>
    tpu.wait_indirect_dma semaphore(%arg27 : memref<!tpu.dma_semaphore, #tpu.memory_space<semaphore_mem>>) src(%dma_wait3A_32 : memref<10000x128xf32, #tpu.memory_space<hbm>>) dst(%arg17 : memref<80x128xf32, #tpu.memory_space<vmem>>)
    %dma_wait3A_33 = arith.constant 0 : i32
    %dma_wait3A_34 = arith.constant 0 : i32
    %dma_wait3A_35 = tpu.memref_slice %arg3[%dma_wait3A_33, %dma_wait3A_34] : memref<320000x128xf32, #tpu.memory_space<hbm>> -> memref<320000x128xf32, #tpu.memory_space<hbm>>
    tpu.wait_indirect_dma semaphore(%arg28 : memref<!tpu.dma_semaphore, #tpu.memory_space<semaphore_mem>>) src(%dma_wait3A_35 : memref<320000x128xf32, #tpu.memory_space<hbm>>) dst(%arg18 : memref<80x128xf32, #tpu.memory_space<vmem>>)
    %dma_start3A_36 = arith.constant 0 : i32
    %dma_start3A_37 = arith.constant 0 : i32
    %dma_start3A_38 = tpu.memref_slice %arg12[%dma_start3A_36, %dma_start3A_37] : memref<10240x128xf32, #tpu.memory_space<vmem_shared>> -> memref<10240x128xf32, #tpu.memory_space<vmem_shared>>
    tpu.enqueue_indirect_dma source(%arg17 : memref<80x128xf32, #tpu.memory_space<vmem>>) target(%dma_start3A_38 : memref<10240x128xf32, #tpu.memory_space<vmem_shared>>) offsets(%arg16 : memref<80xi32, #tpu.memory_space<vmem>>) semaphore(%arg31 : memref<!tpu.dma_semaphore, #tpu.memory_space<semaphore_mem>>) {add = true}
    %dma_start3A_39 = arith.constant 0 : i32
    %dma_start3A_40 = arith.constant 0 : i32
    %dma_start3A_41 = tpu.memref_slice %arg12[%dma_start3A_39, %dma_start3A_40] : memref<10240x128xf32, #tpu.memory_space<vmem_shared>> -> memref<10240x128xf32, #tpu.memory_space<vmem_shared>>
    tpu.enqueue_indirect_dma source(%arg18 : memref<80x128xf32, #tpu.memory_space<vmem>>) target(%dma_start3A_41 : memref<10240x128xf32, #tpu.memory_space<vmem_shared>>) offsets(%arg16 : memref<80xi32, #tpu.memory_space<vmem>>) semaphore(%arg31 : memref<!tpu.dma_semaphore, #tpu.memory_space<semaphore_mem>>) {add = true}
    %dma_start3A_42 = arith.constant 0 : i32
    %dma_start3A_43 = tpu.memref_slice %arg13[%dma_start3A_42] : memref<10240xf32, #tpu.memory_space<vmem_shared>> -> memref<10240xf32, #tpu.memory_space<vmem_shared>>
    tpu.enqueue_indirect_dma source(%arg24 : memref<80xf32, #tpu.memory_space<vmem>>) target(%dma_start3A_43 : memref<10240xf32, #tpu.memory_space<vmem_shared>>) offsets(%arg16 : memref<80xi32, #tpu.memory_space<vmem>>) semaphore(%arg33 : memref<!tpu.dma_semaphore, #tpu.memory_space<semaphore_mem>>) {add = true}
    %dma_wait3A_44 = arith.constant 0 : i32
    %dma_wait3A_45 = arith.constant 0 : i32
    %dma_wait3A_46 = tpu.memref_slice %arg2[%dma_wait3A_44, %dma_wait3A_45] : memref<10000x128xf32, #tpu.memory_space<hbm>> -> memref<10000x128xf32, #tpu.memory_space<hbm>>
    tpu.wait_indirect_dma semaphore(%arg29 : memref<!tpu.dma_semaphore, #tpu.memory_space<semaphore_mem>>) src(%dma_wait3A_46 : memref<10000x128xf32, #tpu.memory_space<hbm>>) dst(%arg22 : memref<80x128xf32, #tpu.memory_space<vmem>>)
    %dma_wait3A_47 = arith.constant 0 : i32
    %dma_wait3A_48 = arith.constant 0 : i32
    %dma_wait3A_49 = tpu.memref_slice %arg3[%dma_wait3A_47, %dma_wait3A_48] : memref<320000x128xf32, #tpu.memory_space<hbm>> -> memref<320000x128xf32, #tpu.memory_space<hbm>>
    tpu.wait_indirect_dma semaphore(%arg30 : memref<!tpu.dma_semaphore, #tpu.memory_space<semaphore_mem>>) src(%dma_wait3A_49 : memref<320000x128xf32, #tpu.memory_space<hbm>>) dst(%arg23 : memref<80x128xf32, #tpu.memory_space<vmem>>)
    %dma_start3A_50 = arith.constant 0 : i32
    %dma_start3A_51 = arith.constant 0 : i32
    %dma_start3A_52 = tpu.memref_slice %arg12[%dma_start3A_50, %dma_start3A_51] : memref<10240x128xf32, #tpu.memory_space<vmem_shared>> -> memref<10240x128xf32, #tpu.memory_space<vmem_shared>>
    tpu.enqueue_indirect_dma source(%arg22 : memref<80x128xf32, #tpu.memory_space<vmem>>) target(%dma_start3A_52 : memref<10240x128xf32, #tpu.memory_space<vmem_shared>>) offsets(%arg21 : memref<80xi32, #tpu.memory_space<vmem>>) semaphore(%arg32 : memref<!tpu.dma_semaphore, #tpu.memory_space<semaphore_mem>>) {add = true}
    %dma_start3A_53 = arith.constant 0 : i32
    %dma_start3A_54 = arith.constant 0 : i32
    %dma_start3A_55 = tpu.memref_slice %arg12[%dma_start3A_53, %dma_start3A_54] : memref<10240x128xf32, #tpu.memory_space<vmem_shared>> -> memref<10240x128xf32, #tpu.memory_space<vmem_shared>>
    tpu.enqueue_indirect_dma source(%arg23 : memref<80x128xf32, #tpu.memory_space<vmem>>) target(%dma_start3A_55 : memref<10240x128xf32, #tpu.memory_space<vmem_shared>>) offsets(%arg21 : memref<80xi32, #tpu.memory_space<vmem>>) semaphore(%arg32 : memref<!tpu.dma_semaphore, #tpu.memory_space<semaphore_mem>>) {add = true}
    %dma_start3A_56 = arith.constant 0 : i32
    %dma_start3A_57 = tpu.memref_slice %arg13[%dma_start3A_56] : memref<10240xf32, #tpu.memory_space<vmem_shared>> -> memref<10240xf32, #tpu.memory_space<vmem_shared>>
    tpu.enqueue_indirect_dma source(%arg24 : memref<80xf32, #tpu.memory_space<vmem>>) target(%dma_start3A_57 : memref<10240xf32, #tpu.memory_space<vmem_shared>>) offsets(%arg21 : memref<80xi32, #tpu.memory_space<vmem>>) semaphore(%arg33 : memref<!tpu.dma_semaphore, #tpu.memory_space<semaphore_mem>>) {add = true}
    %dma_wait3A_58 = arith.constant 0 : i32
    %dma_wait3A_59 = arith.constant 0 : i32
    %dma_wait3A_60 = tpu.memref_slice %arg12[%dma_wait3A_58, %dma_wait3A_59] : memref<10240x128xf32, #tpu.memory_space<vmem_shared>> -> memref<10240x128xf32, #tpu.memory_space<vmem_shared>>
    tpu.wait_indirect_dma semaphore(%arg31 : memref<!tpu.dma_semaphore, #tpu.memory_space<semaphore_mem>>) src(%arg17 : memref<80x128xf32, #tpu.memory_space<vmem>>) dst(%dma_wait3A_60 : memref<10240x128xf32, #tpu.memory_space<vmem_shared>>)
    %dma_wait3A_61 = arith.constant 0 : i32
    %dma_wait3A_62 = arith.constant 0 : i32
    %dma_wait3A_63 = tpu.memref_slice %arg12[%dma_wait3A_61, %dma_wait3A_62] : memref<10240x128xf32, #tpu.memory_space<vmem_shared>> -> memref<10240x128xf32, #tpu.memory_space<vmem_shared>>
    tpu.wait_indirect_dma semaphore(%arg31 : memref<!tpu.dma_semaphore, #tpu.memory_space<semaphore_mem>>) src(%arg18 : memref<80x128xf32, #tpu.memory_space<vmem>>) dst(%dma_wait3A_63 : memref<10240x128xf32, #tpu.memory_space<vmem_shared>>)
    %dma_wait3A_64 = arith.constant 0 : i32
    %dma_wait3A_65 = arith.constant 0 : i32
    %dma_wait3A_66 = tpu.memref_slice %arg12[%dma_wait3A_64, %dma_wait3A_65] : memref<10240x128xf32, #tpu.memory_space<vmem_shared>> -> memref<10240x128xf32, #tpu.memory_space<vmem_shared>>
    tpu.wait_indirect_dma semaphore(%arg32 : memref<!tpu.dma_semaphore, #tpu.memory_space<semaphore_mem>>) src(%arg22 : memref<80x128xf32, #tpu.memory_space<vmem>>) dst(%dma_wait3A_66 : memref<10240x128xf32, #tpu.memory_space<vmem_shared>>)
    %dma_wait3A_67 = arith.constant 0 : i32
    %dma_wait3A_68 = arith.constant 0 : i32
    %dma_wait3A_69 = tpu.memref_slice %arg12[%dma_wait3A_67, %dma_wait3A_68] : memref<10240x128xf32, #tpu.memory_space<vmem_shared>> -> memref<10240x128xf32, #tpu.memory_space<vmem_shared>>
    tpu.wait_indirect_dma semaphore(%arg32 : memref<!tpu.dma_semaphore, #tpu.memory_space<semaphore_mem>>) src(%arg23 : memref<80x128xf32, #tpu.memory_space<vmem>>) dst(%dma_wait3A_69 : memref<10240x128xf32, #tpu.memory_space<vmem_shared>>)
    %scan3A_70 = arith.constant 0 : i32
    %scan3A_71 = arith.constant 0 : i32
    %scan3A_72 = arith.constant 126 : i32
    %scan3A_73 = arith.addi %scan3A_71, %scan3A_72 : i32
    %scan3A_74 = arith.constant 1 : i32
    scf.for %scan3A_86 = %scan3A_71 to %scan3A_73 step %scan3A_74  : i32 {
      %dma_wait3A_87 = arith.constant 0 : i32
      %dma_wait3A_88 = tpu.memref_slice %arg13[%dma_wait3A_87] : memref<10240xf32, #tpu.memory_space<vmem_shared>> -> memref<10240xf32, #tpu.memory_space<vmem_shared>>
      tpu.wait_indirect_dma semaphore(%arg33 : memref<!tpu.dma_semaphore, #tpu.memory_space<semaphore_mem>>) src(%arg24 : memref<80xf32, #tpu.memory_space<vmem>>) dst(%dma_wait3A_88 : memref<10240xf32, #tpu.memory_space<vmem_shared>>)
    }
    %scan3A_75 = arith.constant 126 : i32
    %barrier3A_76 = arith.constant 0 : index
    tpu.barrier barrier_id(%barrier3A_76)
    %scan3A_77 = arith.constant 0 : i32
    %scan3A_78 = arith.constant 0 : i32
    %scan3A_79 = arith.constant 20 : i32
    %scan3A_80 = arith.addi %scan3A_78, %scan3A_79 : i32
    %scan3A_81 = arith.constant 1 : i32
    scf.for %scan3A_86 = %scan3A_78 to %scan3A_80 step %scan3A_81  : i32 {
      %mul3A_87 = arith.constant 32 : i32
      %mul3A_88 = arith.muli %scan3A_86, %mul3A_87 : i32
      %add3A_89 = arith.addi %mul3A_4, %mul3A_88 : i32
      "tpu.region"() ({
        %run_scoped3A = tpu.sem_alloc : memref<!tpu.dma_semaphore, #tpu.memory_space<semaphore_mem>>
        %dma_start3A_90 = arith.constant 0 : i32
        %dma_start3A_91 = tpu.memref_slice %arg12[%add3A_89, %dma_start3A_90] : memref<10240x128xf32, #tpu.memory_space<vmem_shared>> -> memref<32x128xf32, #tpu.memory_space<vmem_shared>>
        %dma_start3A_92 = arith.constant 0 : i32
        %dma_start3A_93 = tpu.memref_slice %arg12[%add3A_89, %dma_start3A_92] : memref<10240x128xf32, #tpu.memory_space<vmem_shared>> -> memref<32x128xf32, #tpu.memory_space<vmem_shared>>
        tpu.enqueue_dma source(%dma_start3A_93 : memref<32x128xf32, #tpu.memory_space<vmem_shared>>) target(%arg25 : memref<32x128xf32, #tpu.memory_space<vmem>>) target_semaphore(%run_scoped3A : memref<!tpu.dma_semaphore, #tpu.memory_space<semaphore_mem>>)
        %dma_wait3A_94 = arith.constant 0 : i32
        %dma_wait3A_95 = tpu.memref_slice %arg12[%add3A_89, %dma_wait3A_94] : memref<10240x128xf32, #tpu.memory_space<vmem_shared>> -> memref<32x128xf32, #tpu.memory_space<vmem_shared>>
        %dma_wait3A_96 = arith.constant 0 : i32
        %dma_wait3A_97 = tpu.memref_slice %arg12[%add3A_89, %dma_wait3A_96] : memref<10240x128xf32, #tpu.memory_space<vmem_shared>> -> memref<32x128xf32, #tpu.memory_space<vmem_shared>>
        tpu.wait_dma2 semaphore(%run_scoped3A : memref<!tpu.dma_semaphore, #tpu.memory_space<semaphore_mem>>) src(%dma_wait3A_97 : memref<32x128xf32, #tpu.memory_space<vmem_shared>>) dst(%arg25 : memref<32x128xf32, #tpu.memory_space<vmem>>)
        tpu.yield
      }) : () -> ()
      "tpu.region"() ({
        %run_scoped3A = tpu.sem_alloc : memref<!tpu.dma_semaphore, #tpu.memory_space<semaphore_mem>>
        %dma_start3A_90 = arith.constant 0 : i32
        %dma_start3A_91 = tpu.memref_slice %arg10[%arg0, %add3A_89, %dma_start3A_90] : memref<2x10240x128xf32, #tpu.memory_space<hbm>> -> memref<1x32x128xf32, #tpu.memory_space<hbm>>
        %dma_start3A_92 = tpu.memref_squeeze %dma_start3A_91 : memref<1x32x128xf32, #tpu.memory_space<hbm>> -> memref<32x128xf32, #tpu.memory_space<hbm>>
        %dma_start3A_93 = arith.constant 0 : i32
        %dma_start3A_94 = tpu.memref_slice %arg10[%arg0, %add3A_89, %dma_start3A_93] : memref<2x10240x128xf32, #tpu.memory_space<hbm>> -> memref<1x32x128xf32, #tpu.memory_space<hbm>>
        %dma_start3A_95 = tpu.memref_squeeze %dma_start3A_94 : memref<1x32x128xf32, #tpu.memory_space<hbm>> -> memref<32x128xf32, #tpu.memory_space<hbm>>
        tpu.enqueue_dma source(%arg25 : memref<32x128xf32, #tpu.memory_space<vmem>>) target(%dma_start3A_95 : memref<32x128xf32, #tpu.memory_space<hbm>>) target_semaphore(%run_scoped3A : memref<!tpu.dma_semaphore, #tpu.memory_space<semaphore_mem>>)
        %dma_wait3A_96 = arith.constant 0 : i32
        %dma_wait3A_97 = tpu.memref_slice %arg10[%arg0, %add3A_89, %dma_wait3A_96] : memref<2x10240x128xf32, #tpu.memory_space<hbm>> -> memref<1x32x128xf32, #tpu.memory_space<hbm>>
        %dma_wait3A_98 = tpu.memref_squeeze %dma_wait3A_97 : memref<1x32x128xf32, #tpu.memory_space<hbm>> -> memref<32x128xf32, #tpu.memory_space<hbm>>
        %dma_wait3A_99 = arith.constant 0 : i32
        %dma_wait3A_100 = tpu.memref_slice %arg10[%arg0, %add3A_89, %dma_wait3A_99] : memref<2x10240x128xf32, #tpu.memory_space<hbm>> -> memref<1x32x128xf32, #tpu.memory_space<hbm>>
        %dma_wait3A_101 = tpu.memref_squeeze %dma_wait3A_100 : memref<1x32x128xf32, #tpu.memory_space<hbm>> -> memref<32x128xf32, #tpu.memory_space<hbm>>
        tpu.wait_dma2 semaphore(%run_scoped3A : memref<!tpu.dma_semaphore, #tpu.memory_space<semaphore_mem>>) src(%arg25 : memref<32x128xf32, #tpu.memory_space<vmem>>) dst(%dma_wait3A_101 : memref<32x128xf32, #tpu.memory_space<hbm>>)
        tpu.yield
      }) : () -> ()
    }
    %scan3A_82 = arith.constant 20 : i32
    "tpu.region"() ({
      %run_scoped3A = tpu.sem_alloc : memref<!tpu.dma_semaphore, #tpu.memory_space<semaphore_mem>>
      %dma_start3A_86 = tpu.memref_slice %arg13[%mul3A_4] : memref<10240xf32, #tpu.memory_space<vmem_shared>> -> memref<640xf32, #tpu.memory_space<vmem_shared>>
      %dma_start3A_87 = tpu.memref_slice %arg13[%mul3A_4] : memref<10240xf32, #tpu.memory_space<vmem_shared>> -> memref<640xf32, #tpu.memory_space<vmem_shared>>
      tpu.enqueue_dma source(%dma_start3A_87 : memref<640xf32, #tpu.memory_space<vmem_shared>>) target(%arg26 : memref<640xf32, #tpu.memory_space<vmem>>) target_semaphore(%run_scoped3A : memref<!tpu.dma_semaphore, #tpu.memory_space<semaphore_mem>>)
      %dma_wait3A_88 = tpu.memref_slice %arg13[%mul3A_4] : memref<10240xf32, #tpu.memory_space<vmem_shared>> -> memref<640xf32, #tpu.memory_space<vmem_shared>>
      %dma_wait3A_89 = tpu.memref_slice %arg13[%mul3A_4] : memref<10240xf32, #tpu.memory_space<vmem_shared>> -> memref<640xf32, #tpu.memory_space<vmem_shared>>
      tpu.wait_dma2 semaphore(%run_scoped3A : memref<!tpu.dma_semaphore, #tpu.memory_space<semaphore_mem>>) src(%dma_wait3A_89 : memref<640xf32, #tpu.memory_space<vmem_shared>>) dst(%arg26 : memref<640xf32, #tpu.memory_space<vmem>>)
      tpu.yield
    }) : () -> ()
    %mul3A_83 = arith.constant 10240 : i32
    %mul3A_84 = arith.muli %arg0, %mul3A_83 : i32
    %add3A_85 = arith.addi %mul3A_84, %mul3A_4 : i32
    "tpu.region"() ({
      %run_scoped3A = tpu.sem_alloc : memref<!tpu.dma_semaphore, #tpu.memory_space<semaphore_mem>>
      %dma_start3A_86 = tpu.memref_slice %arg11[%add3A_85] : memref<20480xf32, #tpu.memory_space<hbm>> -> memref<640xf32, #tpu.memory_space<hbm>>
      %dma_start3A_87 = tpu.memref_slice %arg11[%add3A_85] : memref<20480xf32, #tpu.memory_space<hbm>> -> memref<640xf32, #tpu.memory_space<hbm>>
      tpu.enqueue_dma source(%arg26 : memref<640xf32, #tpu.memory_space<vmem>>) target(%dma_start3A_87 : memref<640xf32, #tpu.memory_space<hbm>>) target_semaphore(%run_scoped3A : memref<!tpu.dma_semaphore, #tpu.memory_space<semaphore_mem>>)
      %dma_wait3A_88 = tpu.memref_slice %arg11[%add3A_85] : memref<20480xf32, #tpu.memory_space<hbm>> -> memref<640xf32, #tpu.memory_space<hbm>>
      %dma_wait3A_89 = tpu.memref_slice %arg11[%add3A_85] : memref<20480xf32, #tpu.memory_space<hbm>> -> memref<640xf32, #tpu.memory_space<hbm>>
      tpu.wait_dma2 semaphore(%run_scoped3A : memref<!tpu.dma_semaphore, #tpu.memory_space<semaphore_mem>>) src(%arg26 : memref<640xf32, #tpu.memory_space<vmem>>) dst(%dma_wait3A_89 : memref<640xf32, #tpu.memory_space<hbm>>)
      tpu.yield
    }) : () -> ()
    return
  }
}

module attributes {stable_mosaic.version = 14 : i64} {
  func.func @_combine_body(%arg0: i32, %arg1: memref<400x128xf32, #tpu.memory_space<vmem>>, %arg2: memref<2x400x128xf32, #tpu.memory_space<vmem>>, %arg3: memref<2x400x1xf32, #tpu.memory_space<vmem>>, %arg4: memref<128x128xf32, #tpu.memory_space<vmem>>, %arg5: memref<400x128xf32, #tpu.memory_space<vmem>>) attributes {dimension_semantics = [#tpu.dimension_semantics<arbitrary>], iteration_bounds = array<i64: 25>, scalar_prefetch = 0 : i64, scratch_operands = 0 : i64, tpu.core_type = #tpu.core_type<tc>, window_params = [{transform_indices = @transform_0, window_bounds = array<i64: 400, 128>}, {transform_indices = @transform_1, window_bounds = array<i64: 2, 400, 128>}, {transform_indices = @transform_2, window_bounds = array<i64: 2, 400, 1>}, {pipeline_mode = #tpu.pipeline_mode<synchronous>, transform_indices = @transform_3, window_bounds = array<i64: 128, 128>}, {transform_indices = @transform_4, window_bounds = array<i64: 400, 128>}]} {
    %get3A = arith.constant 0 : index
    %get3A_0 = arith.constant 0 : index
    %get3A_1 = arith.constant 0 : index
    %get3A_2 = vector.load %arg2[%get3A, %get3A_0, %get3A_1] : memref<2x400x128xf32, #tpu.memory_space<vmem>>, vector<1x400x128xf32>
    %get3A_3 = vector.shape_cast %get3A_2 : vector<1x400x128xf32> to vector<400x128xf32>
    %get3A_4 = arith.constant 1 : index
    %get3A_5 = arith.constant 0 : index
    %get3A_6 = arith.constant 0 : index
    %get3A_7 = vector.load %arg2[%get3A_4, %get3A_5, %get3A_6] : memref<2x400x128xf32, #tpu.memory_space<vmem>>, vector<1x400x128xf32>
    %get3A_8 = vector.shape_cast %get3A_7 : vector<1x400x128xf32> to vector<400x128xf32>
    %add3A = arith.addf %get3A_3, %get3A_8 : vector<400x128xf32>
    %get3A_9 = arith.constant 0 : index
    %get3A_10 = arith.constant 0 : index
    %get3A_11 = arith.constant 0 : index
    %get3A_12 = vector.load %arg3[%get3A_9, %get3A_10, %get3A_11] : memref<2x400x1xf32, #tpu.memory_space<vmem>>, vector<1x400x1xf32>
    %get3A_13 = vector.shape_cast %get3A_12 : vector<1x400x1xf32> to vector<400x1xf32>
    %get3A_14 = arith.constant 1 : index
    %get3A_15 = arith.constant 0 : index
    %get3A_16 = arith.constant 0 : index
    %get3A_17 = vector.load %arg3[%get3A_14, %get3A_15, %get3A_16] : memref<2x400x1xf32, #tpu.memory_space<vmem>>, vector<1x400x1xf32>
    %get3A_18 = vector.shape_cast %get3A_17 : vector<1x400x1xf32> to vector<400x1xf32>
    %add3A_19 = arith.addf %get3A_13, %get3A_18 : vector<400x1xf32>
    %max3A = arith.constant 1.000000e+00 : f32
    %max3A_20 = vector.broadcast %max3A : f32 to vector<400x1xf32>
    %max3A_21 = arith.maximumf %add3A_19, %max3A_20 : vector<400x1xf32>
    %get3A_22 = arith.constant 0 : index
    %get3A_23 = arith.constant 0 : index
    %get3A_24 = vector.load %arg4[%get3A_22, %get3A_23] : memref<128x128xf32, #tpu.memory_space<vmem>>, vector<128x128xf32>
    %dot_general3A = arith.constant dense<0.000000e+00> : vector<400x128xf32>
    %dot_general3A_25 = tpu.matmul %add3A, %get3A_24, %dot_general3A {dimension_numbers = #tpu.dot_dimension_numbers<[1], [0], [0], [1], [0, 0, 1, 1], [], []>, transpose_lhs_hint = false} : vector<400x128xf32>, vector<128x128xf32>, vector<400x128xf32> -> vector<400x128xf32>
    %get3A_26 = arith.constant 0 : index
    %get3A_27 = arith.constant 0 : index
    %get3A_28 = vector.load %arg1[%get3A_26, %get3A_27] : memref<400x128xf32, #tpu.memory_space<vmem>>, vector<400x128xf32>
    %div3A = vector.broadcast %max3A_21 : vector<400x1xf32> to vector<400x128xf32>
    %div3A_29 = arith.divf %dot_general3A_25, %div3A : vector<400x128xf32>
    %add3A_30 = arith.addf %get3A_28, %div3A_29 : vector<400x128xf32>
    %swap3A = arith.constant 0 : index
    %swap3A_31 = arith.constant 0 : index
    %swap3A_32 = vector.load %arg5[%swap3A, %swap3A_31] : memref<400x128xf32, #tpu.memory_space<vmem>>, vector<400x128xf32>
    tpu.vector_store %arg5[%swap3A, %swap3A_31], %add3A_30 {strides = array<i32>} : memref<400x128xf32, #tpu.memory_space<vmem>>, vector<400x128xf32>,
    return
  }
  func.func @transform_0(%arg0: i32) -> (i32, i32) {
    %c0_i32 = arith.constant 0 : i32
    %c0_i32_0 = arith.constant 0 : i32
    return %arg0, %c0_i32 : i32, i32
  }
  func.func @transform_1(%arg0: i32) -> (i32, i32, i32) {
    %c0_i32 = arith.constant 0 : i32
    %c0_i32_0 = arith.constant 0 : i32
    %c0_i32_1 = arith.constant 0 : i32
    return %c0_i32, %arg0, %c0_i32_0 : i32, i32, i32
  }
  func.func @transform_2(%arg0: i32) -> (i32, i32, i32) {
    %c0_i32 = arith.constant 0 : i32
    %c0_i32_0 = arith.constant 0 : i32
    %c0_i32_1 = arith.constant 0 : i32
    return %c0_i32, %arg0, %c0_i32_0 : i32, i32, i32
  }
  func.func @transform_3(%arg0: i32) -> (i32, i32) {
    %c0_i32 = arith.constant 0 : i32
    %c0_i32_0 = arith.constant 0 : i32
    %c0_i32_1 = arith.constant 0 : i32
    return %c0_i32, %c0_i32_0 : i32, i32
  }
  func.func @transform_4(%arg0: i32) -> (i32, i32) {
    %c0_i32 = arith.constant 0 : i32
    %c0_i32_0 = arith.constant 0 : i32
    return %arg0, %c0_i32 : i32, i32
  }
}

</mosaic_0001>

<sc_bundles>
// kernel: kernel.4.cloned.1.call-start
scs
__scs_entry_jumppad:
0x0: {  	(pc) =	sbr.rel $0x88, $3  }
0x1: {  	(tag) =	ssettag $0x0;
	lr =	simm.s32 $0x1  }
0x2: {  	[smem:$0x3F9D] =	sst lr;
	_ =	strace $0xD0000000  }
0x3: {  	_ = 	snop  }
0x4: {  	_ = 	snop  }
0x5: {  	_ = 	snop  }
0x6: {  	_ = 	snop  }
0x7: {  	_ = 	snop  }
__scs_overlays_trampoline_lowered:
0x8: {  	[smem:$0x3FAC] =	sst s0  }
0x9: {  	[smem:$0x3FAD] =	sst s1  }
0xa: {  	[smem:$0x3FAE] =	sst s2  }
0xb: {  	[smem:$0x3FAF] =	sst s3  }
0xc: {  	[smem:$0x3FB0] =	sst s4  }
0xd: {  	[smem:$0x3FB1] =	sst s5  }
0xe: {  	[smem:$0x3FB2] =	sst s6  }
0xf: {  	[smem:$0x3FB3] =	sst s7  }
0x10: {  	[smem:$0x3FB4] =	sst s8  }
0x11: {  	[smem:$0x3FB5] =	sst s9;
	s0 =	simm.s32 @!p0 $0x0  }
0x12: {  	s1 =	sld [smem:$0x3F9B];
	s0 =	simm.s32 @p0 $0x1  }
0x13: {  	[smem:$0x3FB6] =	sst s0;
	s0 =	simm.s32 @!p1 $0x0  }
0x14: {  	s2 =	sld [smem:$0x3F9A];
	s0 =	simm.s32 @p1 $0x1  }
0x15: {  	[smem:$0x3FB7] =	sst s0;
	s0 =	simm.s32 @!p2 $0x0  }
0x16: {  	s3 =	sld [smem:$0x3FDB];
	s0 =	simm.s32 @p2 $0x1  }
0x17: {  	s4 =	simm.s32 $0x1BF5;
	[smem:$0x3FB9] =	sst s0  }
0x18: {  	s0 =	sld [smem:$0x3F9C];
	_ =	swait.ge [sflag:s4], $0x0  }
0x19: {  	s7 =	sld [smem:$0x3F9D]  }
0x1a: {  	s8 =	sadd.s32 $0xFFFFE003, lr  }
0x1b: {  	s9 =	sadd.s32 $0xFFFFFEF7, lr;
	s5 =	simm.s32 $0xFFFFFFFF;
	p2 =	slt.u32 s8, $0xFFFFF086  }
0x1c: {  	p1 =	slt.u32 s9, $0xF7A;
	s5 =	simm.s32 @!p2 $0x0  }
0x1d: {  	s5 =	simm.s32 @p1 $0x1;
	p0 =	seq.s32 s7, s2  }
0x1e: {  	s7 =	smul.u32 @!p0 $0xF7A, s2;
	p2 =	seq.s32 @!p0 s5, $0x0  }
0x1f: {  	s9 =	smul.u32 $0xF7A, s1;
	s8 =	simm.s32 @!p0 $0x1BF5;
	p2 =	por !p2, p0  }
0x20: {  	[sflag:s8] =	ssyncset.s32 @!p0 $0xFFFFF086;
	s6 =	sadd.s32 @!p0 s3, s7;
	s7 =	simm.s32 @!p0 $0x108  }
0x21: {  	s3 =	sadd.s32 s3, s9;
	s6 =	sadd.s32 @!p0 $0x88, s6;
	s7 =	simm.s32 @p2 $0x1082  }
0x22: {  	[simem:s7], [sflag:s8] =	dma.local @!p0 [hbm:s6], $0xF7A  }
0x23: {  	s9 =	sor.u32 $0xD0000000, s2;
	s6 =	simm.s32 $0x108;
	_ =	swait.ge @!p0 [sflag:s8], $0x0  }
0x24: {  	s3 =	sadd.s32 $0x88, s3;
	s6 =	simm.s32 @!p1 $0x1082;
	[sflag:s4] =	ssyncset.s32 $0xFFFFF086  }
0x25: {  	[simem:s6], [sflag:s4] =	dma.local [hbm:s3], $0xF7A  }
0x26: {  	[smem:$0x3F9D] =	sst s1;
	(tag) =	ssettag s2;
	_ =	strace s9  }
0x27: {  	s1 =	sld [smem:$0x3FAD]  }
0x28: {  	s2 =	sld [smem:$0x3FAE]  }
0x29: {  	s4 =	sld [smem:$0x3FB0]  }
0x2a: {  	p0 =	seq.s32 s5, $0x0;
	s5 =	sld [smem:$0x3FB1]  }
0x2b: {  	s6 =	sld [smem:$0x3FB2]  }
0x2c: {  	s7 =	sld [smem:$0x3FB3]  }
0x2d: {  	s3 =	simm.s32 $0x108;
	s8 =	sld [smem:$0x3FB4]  }
0x2e: {  	s3 =	simm.s32 @!p0 $0x1082;
	s9 =	sld [smem:$0x3FB5]  }
0x2f: {  	lr =	sadd.s32 s0, s3;
	s0 =	sld [smem:$0x3FAC]  }
0x30: {  	s3 =	sld [smem:$0x3FAF]  }
0x31: {  	[smem:$0x3FB8] =	sst s10  }
0x32: {  	s10 =	sld [smem:$0x3FB6];
	_ =	sdelay $0x3  }
0x33: {  	p0 =	seq.s32 s10, $0x1;
	s10 =	sld [smem:$0x3FB8];
	_ =	sdelay $0x3  }
0x34: {  	[smem:$0x3FB8] =	sst s10  }
0x35: {  	s10 =	sld [smem:$0x3FB7];
	_ =	sdelay $0x3  }
0x36: {  	p1 =	seq.s32 s10, $0x1;
	s10 =	sld [smem:$0x3FB8];
	_ =	sdelay $0x3  }
0x37: {  	[smem:$0x3FB8] =	sst s10  }
0x38: {  	s10 =	sld [smem:$0x3FB9]  }
0x39: {  	_ = 	snop;
	(pc) =	sbr.ind lr, $3  }
0x3a: {  	_ = 	snop  }
0x3b: {  	_ = 	snop  }
0x3c: {  	p2 =	seq.s32 s10, $0x1;
	s10 =	sld [smem:$0x3FB8]  }
0x3d: {  	_ =	shalt  }
0x3e: {  	_ =	shalt  }
0x3f: {  	_ =	shalt  }
0x40: {  	_ =	shalt  }
0x41: {  	_ =	shalt  }
0x42: {  	_ =	shalt  }
0x43: {  	_ =	shalt  }
0x44: {  	_ =	shalt  }
0x45: {  	_ =	shalt  }
0x46: {  	_ =	shalt  }
0x47: {  	_ =	shalt  }
0x48: {  	_ =	shalt  }
0x49: {  	_ =	shalt  }
0x4a: {  	_ =	shalt  }
0x4b: {  	_ =	shalt  }
0x4c: {  	_ =	shalt  }
0x4d: {  	_ =	shalt  }
0x4e: {  	_ =	shalt  }
0x4f: {  	_ =	shalt  }
0x50: {  	_ =	shalt  }
0x51: {  	_ =	shalt  }
0x52: {  	_ =	shalt  }
0x53: {  	_ =	shalt  }
0x54: {  	_ =	shalt  }
0x55: {  	_ =	shalt  }
0x56: {  	_ =	shalt  }
0x57: {  	_ =	shalt  }
0x58: {  	_ =	shalt  }
0x59: {  	_ =	shalt  }
0x5a: {  	_ =	shalt  }
0x5b: {  	_ =	shalt  }
0x5c: {  	_ =	shalt  }
0x5d: {  	_ =	shalt  }
0x5e: {  	_ =	shalt  }
0x5f: {  	_ =	shalt  }
0x60: {  	_ =	shalt  }
0x61: {  	_ =	shalt  }
0x62: {  	_ =	shalt  }
0x63: {  	_ =	shalt  }
0x64: {  	_ =	shalt  }
0x65: {  	_ =	shalt  }
0x66: {  	_ =	shalt  }
0x67: {  	_ =	shalt  }
0x68: {  	_ =	shalt  }
0x69: {  	_ =	shalt  }
0x6a: {  	_ =	shalt  }
0x6b: {  	_ =	shalt  }
0x6c: {  	_ =	shalt  }
0x6d: {  	_ =	shalt  }
0x6e: {  	_ =	shalt  }
0x6f: {  	_ =	shalt  }
0x70: {  	_ =	shalt  }
0x71: {  	_ =	shalt  }
0x72: {  	_ =	shalt  }
0x73: {  	_ =	shalt  }
0x74: {  	_ =	shalt  }
0x75: {  	_ =	shalt  }
0x76: {  	_ =	shalt  }
0x77: {  	_ =	shalt  }
0x78: {  	_ =	shalt  }
0x79: {  	_ =	shalt  }
0x7a: {  	_ =	shalt  }
0x7b: {  	_ =	shalt  }
0x7c: {  	_ =	shalt  }
0x7d: {  	_ =	shalt  }
0x7e: {  	_ =	shalt  }
0x7f: {  	_ =	shalt  }
0x80: {  	_ =	shalt  }
0x81: {  	_ =	shalt  }
0x82: {  	_ =	shalt  }
0x83: {  	_ =	shalt  }
0x84: {  	_ =	shalt  }
0x85: {  	_ =	shalt  }
0x86: {  	_ =	shalt  }
0x87: {  	_ =	shalt  }
.Lfunc_end0:
.L_simem_size_0:
called_computation_lowered:
.L_overlay_start_0:
0x88: {  	s2 =	sld [smem:$0x3FD9]  }
0x89: {  	s3 =	sld [smem:$0x3FFE];
	_ =	sdelay $0x1  }
0x8a: {  	s1 =	srdreg.scid  }
0x8b: {  	s0 =	sand.u32 $0x1, s1  }
0x8c: {  	s17 =	sshll.u32 s0, $0xA;
	s2 =	sadd.s32 s3, s2  }
0x8d: {  	s2 =	sadd.s32 s2, s17  }
0x8e: {  	[smem:$0x3FC4] =	sst s2  }
0x8f: {  	_ = 	snop  }
0x90: {  	s2 =	sld [smem:$0x3FC9]  }
0x91: {  	s18 =	sld [smem:$0x3FC8]  }
0x92: {  	s4 =	sld [smem:$0x3FD0];
	(tm) =	ssettm $0x1  }
0x93: {  	s5 =	sld [smem:$0x3FFB];
	_ =	sdelay $0x3  }
0x94: {  	_ =	strace s5  }
0x95: {  	s5 =	sld [smem:$0x3FFC];
	_ =	sdelay $0x3  }
0x96: {  	_ =	strace s5  }
0x97: {  	s5 =	sld [smem:$0x3FFD];
	_ =	sdelay $0x3  }
0x98: {  	_ =	strace s5  }
0x99: {  	_ =	strace $0x8FFFFFFF  }
0x9a: {  	s19 =	sld [smem:$0x3FDB];
	_ =	sdelay $0x1  }
0x9b: {  	s6 =	simm.s32 $_scs_section_size  }
0x9c: {  	s7 =	simm.s32 $_size__tile_overlayer_lowered;
	s8 =	simm.s32 $_tile_overlayer_lowered  }
0x9d: {  	s22 =	simm.s32 $0x1BFF;
	s21 =	sshll.u32 s8, $0x1;
	s5 =	sadd.s32 s6, s19  }
0x9e: {  	s9 =	simm.s32 $0x0;
	s20 =	sshll.u32 s7, $0x1;
	s7 =	sadd.s32 s21, s5  }
0x9f: {  	[timem:s9], [sflag:s22] =	dma.local [hbm:s7], s20  }
0xa0: {  	_ =	swait.ge [sflag:s22], s20  }
0xa1: {  	s6 =	ssub.s32 $0x0, s20;
	[sflag:s22] =	ssyncset.done $0x0  }
0xa2: {  	[sflag:s22] =	ssyncadd.s32 s6;
	_ =	sdelay $0x1  }
0xa3: {  	s23 =	simm.s32 $0x1B8B  }
0xa4: {  	_ =	swait.ge [sflag:s23], $0x1  }
0xa5: {  	[sflag:s23] =	ssyncset.done $0x0  }
0xa6: {  	s25 =	simm.s32 $0x1B8E;
	s24 =	sld [smem:$0x3FFE];
	[sflag:s23] =	ssyncadd.s32 $0xFFFFFFFF  }
0xa7: {  	s26 =	simm.s32 $execute0_lowered;
	[smem:$0x3FD2] =	sst s25  }
0xa8: {  	s7 =	sshll.u32 s26, $0x1;
	_ =	strace $0x80000046;
	[dreg:$0x1] =	wrdreg $0xFFFFFFFF  }
0xa9: {  	s28 =	simm.s32 $_size_execute0_lowered;
	s5 =	sadd.s32 s5, s7;
	[dreg:$0x0] =	wrdreg $0x0  }
0xaa: {  	s7 =	sshll.u32 s28, $0x1;
	[dreg:$0x2] =	wrdreg s5  }
0xab: {  	[dreg:$0x3] =	wrdreg s7  }
0xac: {  	[dreg:$0x4] =	wrdreg $0xC0  }
0xad: {  	_ =	task [dreg:s9], $0x5FFFF  }
0xae: {  	[dreg:$0x1] =	wrdreg $0xFFFFFFFF  }
0xaf: {  	[dreg:$0x0] =	wrdreg $0x60  }
0xb0: {  	[dreg:$0x2] =	wrdreg s2  }
0xb1: {  	[dreg:$0x3] =	wrdreg s18  }
0xb2: {  	[dreg:$0x4] =	wrdreg s24  }
0xb3: {  	[dreg:$0x5] =	wrdreg s4  }
0xb4: {  	[dreg:$0x6] =	wrdreg $0x0  }
0xb5: {  	[dreg:$0x7] =	wrdreg $0x140000  }
0xb6: {  	[dreg:$0x8] =	wrdreg $0x9  }
0xb7: {  	_ =	task.clear_ibuf [dreg:s9], $0x9FFFF;
	_ =	strace $0x90000046  }
0xb8: {  	s29 =	simm.s32 $0x9;
	_ =	strace $0x80000048  }
0xb9: {  	_ =	swait.ge [sflag:s29], $0x1  }
0xba: {  	[sflag:s29] =	ssyncadd.s32 $0xFFFFFFFF  }
0xbb: {  	_ =	strace $0x90000048  }
0xbc: {  	_ =	sfence  }
0xbd: {  	s30 =	sld [smem:$0x0];
	_ =	sdelay $0x2  }
0xbe: {  	s31 =	sshll.u32 s1, $0xD;
	s1 =	sshrl.u32 s1, $0x2  }
0xbf: {  	s3 =	sand.u32 $0x4000, s31;
	s1 =	sadd.s32 s1, s30  }
0xc0: {  	s0 =	sor.u32 s3, s0;
	s1 =	sshll.u32 s1, $0x11  }
0xc1: {  	s0 =	sor.u32 s1, s0  }
0xc2: {  	s0 =	sadd.s32 $0x8F2B, s0  }
0xc3: {  	[sflag:s0] =	ssyncadd.remote.s32 $0x1  }
0xc4: {  	_ =	sfence.sel $0xFFFF  }
0xc5: {  	[dreg:$0x0] =	wrdreg $0xFFFFFFFF;
	(pc) =	sbr.abs _section_cstart, $3  }
0xc6: {  	[dreg:$0x1] =	wrdreg $0xFFFFFFFF  }
0xc7: {  	_ =	task.clear_ibuf [dreg:s9], $0x2FFFF;
	_ =	strace $0x9FFFFFFF  }
0xc8: {  	(tm) =	ssettm $0x7FFFFFFF  }
0xc9: {  	_ =	shalt  }
tec
execute0_lowered:
.L_overlay_start_1:
0x0: {  	(tag) =	ssettag $0x1  }
0x1: {  	s5 =	rddreg [dreg:$0x0]  }
0x2: {  	s8 =	rddreg [dreg:$0x1]  }
0x3: {  	s0 =	rddreg [dreg:$0x2]  }
0x4: {  	s2 =	rddreg [dreg:$0x3]  }
0x5: {  	s4 =	rddreg [dreg:$0x4]  }
0x6: {  	s9 =	rddreg [dreg:$0x5];
	s13 =	stileid.u32  }
0x7: {  	s1 =	srdreg.scid;
	s7 =	simm.s32 $0x0;
	s6 =	smul.u32 $0x14000, s13  }
0x8: {  	s1 =	sand.u32 $0x1, s1;
	[smem:$0x7FF] =	sst s7;
	s10 =	smul.u32 $0x280, s13  }
0x9: {  	s25 =	sadd.s32 $0x200, s0;
	s12 =	sadd.s32 $0x14200, s0;
	s16 =	sadd.s32 $0x14000, s0  }
0xa: {  	s19 =	smul.u32 $0x50000, s13;
	_ =	strace $0x80000047;
	[dreg:$0xa] =	wrdreg s12  }
0xb: {  	s17 =	sadd.s32 $0x13E00, s0;
	s3 =	smul.u32 $0x140000, s1;
	[dreg:$0xb] =	wrdreg s16  }
0xc: {  	s29 =	sadd.s32 $0xA000, s0;
	s11 =	smul.u32 $0x2800, s1;
	[dreg:$0xc] =	wrdreg s17  }
0xd: {  	s20 =	sshll.u32 s1, $0x4;
	s21 =	smul.u32 $0x27600, s1;
	s1 =	ssub.s32 $0x2, s1  }
0xe: {  	[dreg:$0x1a] =	wrdreg s25;
	s14 =	sshrl.u32 s1, $0x1;
	s3 =	sadd.s32 s6, s3  }
0xf: {  	s18 =	sadd.s32 s10, s11;
	s11 =	sshrl.u32 s19, $0x2;
	s1 =	ssub.s32 s1, s14  }
0x10: {  	s3 =	sshrl.u32 s3, $0x3;
	s6 =	sshrl.u32 s18, $0x3;
	s19 =	smax.u32 s1, $0x1  }
0x11: {  	s23 =	sadd.s32 s11, s4;
	s3 =	sadd.s32 s3, s0;
	[dreg:$0x16] =	wrdreg s19  }
0x12: {  	s0 =	sadd.s32 s6, s0;
	s1 =	sadd.s32 $0x3000, s23;
	[dreg:$0xd] =	wrdreg s23  }
0x13: {  	s6 =	sor.u32 s13, s20;
	s12 =	sadd.s32 $0x8000, s23;
	[dreg:$0x1c] =	wrdreg s1  }
0x14: {  	s13 =	smul.u32 $0x2760, s13;
	s19 =	sadd.s32 $0xE000, s23;
	[smem:$0x7F2] =	sst s12  }
0x15: {  	s6 =	smul.u32 $0x2760, s6;
	s0 =	sadd.s32 $0x14400, s0;
	[smem:$0x7F8] =	sst s19  }
0x16: {  	s11 =	sadd.s32 s13, s21;
	[dreg:$0x15] =	wrdreg s0;
	s21 =	sadd.s32 $0x1000, s23  }
0x17: {  	s13 =	sadd.s32 s10, s9;
	[dreg:$0x17] =	wrdreg s21  }
0x18: {  	s6 =	sshrl.u32 s6, $0x3;
	s21 =	sadd.s32 $0x10000, s23;
	[dreg:$0xe] =	wrdreg s13  }
0x19: {  	s24 =	sadd.s32 s25, s6;
	[smem:$0x7FA] =	sst s21  }
0x1a: {  	s26 =	sadd.s32 s2, s6;
	[dreg:$0xf] =	wrdreg s24  }
0x1b: {  	s22 =	sadd.s32 $0xF0, s11;
	s14 =	sadd.s32 s29, s6;
	[dreg:$0x10] =	wrdreg s26  }
0x1c: {  	s10 =	sshrl.u32 s22, $0x3;
	s22 =	sadd.s32 $0xA0, s11;
	[dreg:$0x11] =	wrdreg s14  }
0x1d: {  	s6 =	sadd.s32 $0xA, s6;
	s11 =	sadd.s32 $0x7000, s23;
	[dreg:$0x18] =	wrdreg s22  }
0x1e: {  	s16 =	sadd.s32 s25, s6;
	[smem:$0x7F1] =	sst s11  }
0x1f: {  	s15 =	sadd.s32 s10, s29;
	[dreg:$0x12] =	wrdreg s16  }
0x20: {  	s17 =	sadd.s32 s10, s2;
	[dreg:$0x7] =	wrdreg s15  }
0x21: {  	s18 =	sadd.s32 s2, s6;
	[dreg:$0x8] =	wrdreg s17  }
0x22: {  	s6 =	sadd.s32 s29, s6;
	[dreg:$0x13] =	wrdreg s18  }
0x23: {  	s20 =	sadd.s32 s10, s25;
	[dreg:$0x14] =	wrdreg s6  }
0x24: {  	s24 =	sadd.s32 $0x14E00, s3;
	[dreg:$0x9] =	wrdreg s20  }
0x25: {  	s26 =	sadd.s32 $0x2000, s23;
	[dreg:$0x19] =	wrdreg s24  }
0x26: {  	s30 =	simm.s32 $0x1F600;
	s3 =	sadd.s32 $0x4000, s23;
	[dreg:$0x1b] =	wrdreg s26  }
0x27: {  	s31 =	simm.s32 $0x19580;
	s10 =	sadd.s32 $0x6000, s23;
	[dreg:$0x1d] =	wrdreg s3  }
0x28: {  	s28 =	simm.s32 $0x4;
	s14 =	sadd.s32 $0x9000, s23;
	[dreg:$0x1f] =	wrdreg s10  }
0x29: {  	s1 =	simm.s32 $0x14380;
	s22 =	sadd.s32 $0x11000, s23;
	[smem:$0x7F3] =	sst s14  }
0x2a: {  	s12 =	simm.s32 $0x14400;
	s6 =	sadd.s32 $0x5000, s23;
	[smem:$0x7FB] =	sst s22  }
0x2b: {  	s19 =	simm.s32 $0x1BD80;
	s15 =	sadd.s32 $0xA000, s23;
	[dreg:$0x1e] =	wrdreg s6  }
0x2c: {  	s21 =	simm.s32 $0x2;
	s16 =	sadd.s32 $0xB000, s23;
	[smem:$0x7F4] =	sst s15  }
0x2d: {  	s11 =	simm.s32 $0x14300;
	s17 =	sadd.s32 $0xC000, s23;
	[smem:$0x7F5] =	sst s16  }
0x2e: {  	s18 =	sadd.s32 $0xD000, s23;
	s20 =	sadd.s32 $0xF000, s23;
	[smem:$0x7F6] =	sst s17  }
0x2f: {  	s24 =	sadd.s32 $0x12000, s23;
	s26 =	sadd.s32 $0x13000, s23;
	[smem:$0x7F7] =	sst s18  }
0x30: {  	s3 =	simm.s32 $0x1E600;
	s14 =	simm.s32 $0x5;
	[smem:$0x7F9] =	sst s20  }
0x31: {  	s10 =	simm.s32 $0x0;
	s22 =	simm.s32 $0x3;
	[smem:$0x7FC] =	sst s24  }
0x32: {  	[smem:$0x7FD] =	sst s26;
	s26 =	simm.s32 $0x8;
	s6 =	simm.s32 $0x50  }
0x33: {  	s16 =	simm.s32 $0x19500;
	s24 =	simm.s32 $0x6;
	s15 =	simm.s32 $0x16C00  }
0x34: {  	s18 =	simm.s32 $0x19480;
	s20 =	simm.s32 $0x1;
	s17 =	simm.s32 $0x19400  }
.LBB2_1:
0x35: {  	[smem:$0x7F0] =	sst s10  }
0x36: {  	s0 =	rddreg [dreg:$0xa]  }
0x37: {  	[tilespmem:s3], [sflag:$0x8] =	stream.linear.gather [hbm4b:s0+s7], $0x1000, $0x38;
	[tilespmem:$0x1F880] =	vst v63  }
0x38: {  	_ =	swait.ge [sflag:s26], $0x1000  }
0x39: {  	[sflag:s26] =	ssyncset.done $0x0  }
0x3a: {  	s10 =	rddreg [dreg:$0xb];
	[sflag:s26] =	ssyncadd.s32 $0xFFFFF000  }
0x3b: {  	[tilespmem:s30], [sflag:$0x8] =	stream.linear.gather [hbm4b:s10+s7], $0x280, $0x38;
	[tilespmem:$0x1F880] =	vst v63  }
0x3c: {  	_ =	swait.ge [sflag:s26], $0x280  }
0x3d: {  	[sflag:s26] =	ssyncset.done $0x0  }
0x3e: {  	s10 =	simm.s32 $0x1E580;
	s0 =	rddreg [dreg:$0xc];
	[sflag:s26] =	ssyncadd.s32 $0xFFFFFD80  }
0x3f: {  	[tilespmem:s10], [sflag:$0x8] =	stream.linear.gather [hbm4b:s0+s7], $0x80, $0x38;
	[tilespmem:$0x1F880] =	vst v63  }
0x40: {  	_ =	swait.ge [sflag:s26], $0x80  }
0x41: {  	[sflag:s26] =	ssyncset.done $0x0  }
0x42: {  	[sflag:s26] =	ssyncadd.s32 $0xFFFFFF80  }
0x43: {  	[spmem:s23] =	stream.linear.scatter [tilespmem:s3], [sflag:$0x8], $0x1000, $0x38;
	[tilespmem:$0x1F880] =	vst v63  }
0x44: {  	_ =	swait.ge [sflag:s26], $0x1000  }
0x45: {  	[sflag:s26] =	ssyncset.done $0x0  }
0x46: {  	s23 =	rddreg [dreg:$0x17];
	[sflag:s26] =	ssyncadd.s32 $0xFFFFF000  }
0x47: {  	[spmem:s23] =	stream.linear.scatter [tilespmem:s3], [sflag:$0x8], $0x1000, $0x38;
	[tilespmem:$0x1F880] =	vst v63  }
0x48: {  	_ =	swait.ge [sflag:s26], $0x1000  }
0x49: {  	[sflag:s26] =	ssyncset.done $0x0  }
0x4a: {  	s10 =	rddreg [dreg:$0x1b];
	[sflag:s26] =	ssyncadd.s32 $0xFFFFF000  }
0x4b: {  	[spmem:s10] =	stream.linear.scatter [tilespmem:s3], [sflag:$0x8], $0x1000, $0x38;
	[tilespmem:$0x1F880] =	vst v63  }
0x4c: {  	_ =	swait.ge [sflag:s26], $0x1000  }
0x4d: {  	[sflag:s26] =	ssyncset.done $0x0  }
0x4e: {  	s23 =	rddreg [dreg:$0x1c];
	[sflag:s26] =	ssyncadd.s32 $0xFFFFF000  }
0x4f: {  	[spmem:s23] =	stream.linear.scatter [tilespmem:s3], [sflag:$0x8], $0x1000, $0x38;
	[tilespmem:$0x1F880] =	vst v63  }
0x50: {  	_ =	swait.ge [sflag:s26], $0x1000  }
0x51: {  	[sflag:s26] =	ssyncset.done $0x0  }
0x52: {  	s10 =	rddreg [dreg:$0x1d];
	[sflag:s26] =	ssyncadd.s32 $0xFFFFF000  }
0x53: {  	[spmem:s10] =	stream.linear.scatter [tilespmem:s3], [sflag:$0x8], $0x1000, $0x38;
	[tilespmem:$0x1F880] =	vst v63  }
0x54: {  	_ =	swait.ge [sflag:s26], $0x1000  }
0x55: {  	[sflag:s26] =	ssyncset.done $0x0  }
0x56: {  	s23 =	rddreg [dreg:$0x1e];
	[sflag:s26] =	ssyncadd.s32 $0xFFFFF000  }
0x57: {  	[spmem:s23] =	stream.linear.scatter [tilespmem:s3], [sflag:$0x8], $0x1000, $0x38;
	[tilespmem:$0x1F880] =	vst v63  }
0x58: {  	_ =	swait.ge [sflag:s26], $0x1000  }
0x59: {  	[sflag:s26] =	ssyncset.done $0x0  }
0x5a: {  	s10 =	rddreg [dreg:$0x1f];
	[sflag:s26] =	ssyncadd.s32 $0xFFFFF000  }
0x5b: {  	[spmem:s10] =	stream.linear.scatter [tilespmem:s3], [sflag:$0x8], $0x1000, $0x38;
	[tilespmem:$0x1F880] =	vst v63  }
0x5c: {  	_ =	swait.ge [sflag:s26], $0x1000  }
0x5d: {  	s23 =	sld [smem:$0x7F1]  }
0x5e: {  	[sflag:s26] =	ssyncset.done $0x0  }
0x5f: {  	[sflag:s26] =	ssyncadd.s32 $0xFFFFF000  }
0x60: {  	[spmem:s23] =	stream.linear.scatter [tilespmem:s3], [sflag:$0x8], $0x1000, $0x38;
	[tilespmem:$0x1F880] =	vst v63  }
0x61: {  	_ =	swait.ge [sflag:s26], $0x1000  }
0x62: {  	s10 =	sld [smem:$0x7F2]  }
0x63: {  	[sflag:s26] =	ssyncset.done $0x0  }
0x64: {  	[sflag:s26] =	ssyncadd.s32 $0xFFFFF000  }
0x65: {  	[spmem:s10] =	stream.linear.scatter [tilespmem:s3], [sflag:$0x8], $0x1000, $0x38;
	[tilespmem:$0x1F880] =	vst v63  }
0x66: {  	_ =	swait.ge [sflag:s26], $0x1000  }
0x67: {  	s23 =	sld [smem:$0x7F3]  }
0x68: {  	[sflag:s26] =	ssyncset.done $0x0  }
0x69: {  	[sflag:s26] =	ssyncadd.s32 $0xFFFFF000  }
0x6a: {  	[spmem:s23] =	stream.linear.scatter [tilespmem:s3], [sflag:$0x8], $0x1000, $0x38;
	[tilespmem:$0x1F880] =	vst v63  }
0x6b: {  	_ =	swait.ge [sflag:s26], $0x1000  }
0x6c: {  	s10 =	sld [smem:$0x7F4]  }
0x6d: {  	[sflag:s26] =	ssyncset.done $0x0  }
0x6e: {  	[sflag:s26] =	ssyncadd.s32 $0xFFFFF000  }
0x6f: {  	[spmem:s10] =	stream.linear.scatter [tilespmem:s3], [sflag:$0x8], $0x1000, $0x38;
	[tilespmem:$0x1F880] =	vst v63  }
0x70: {  	_ =	swait.ge [sflag:s26], $0x1000  }
0x71: {  	s23 =	sld [smem:$0x7F5]  }
0x72: {  	[sflag:s26] =	ssyncset.done $0x0  }
0x73: {  	[sflag:s26] =	ssyncadd.s32 $0xFFFFF000  }
0x74: {  	[spmem:s23] =	stream.linear.scatter [tilespmem:s3], [sflag:$0x8], $0x1000, $0x38;
	[tilespmem:$0x1F880] =	vst v63  }
0x75: {  	_ =	swait.ge [sflag:s26], $0x1000  }
0x76: {  	s10 =	sld [smem:$0x7F6]  }
0x77: {  	[sflag:s26] =	ssyncset.done $0x0  }
0x78: {  	[sflag:s26] =	ssyncadd.s32 $0xFFFFF000  }
0x79: {  	[spmem:s10] =	stream.linear.scatter [tilespmem:s3], [sflag:$0x8], $0x1000, $0x38;
	[tilespmem:$0x1F880] =	vst v63  }
0x7a: {  	_ =	swait.ge [sflag:s26], $0x1000  }
0x7b: {  	s23 =	sld [smem:$0x7F7]  }
0x7c: {  	[sflag:s26] =	ssyncset.done $0x0  }
0x7d: {  	[sflag:s26] =	ssyncadd.s32 $0xFFFFF000  }
0x7e: {  	[spmem:s23] =	stream.linear.scatter [tilespmem:s3], [sflag:$0x8], $0x1000, $0x38;
	[tilespmem:$0x1F880] =	vst v63  }
0x7f: {  	_ =	swait.ge [sflag:s26], $0x1000  }
0x80: {  	s10 =	sld [smem:$0x7F8]  }
0x81: {  	[sflag:s26] =	ssyncset.done $0x0  }
0x82: {  	[sflag:s26] =	ssyncadd.s32 $0xFFFFF000  }
0x83: {  	[spmem:s10] =	stream.linear.scatter [tilespmem:s3], [sflag:$0x8], $0x1000, $0x38;
	[tilespmem:$0x1F880] =	vst v63  }
0x84: {  	_ =	swait.ge [sflag:s26], $0x1000  }
0x85: {  	s23 =	sld [smem:$0x7F9]  }
0x86: {  	[sflag:s26] =	ssyncset.done $0x0  }
0x87: {  	[sflag:s26] =	ssyncadd.s32 $0xFFFFF000  }
0x88: {  	[spmem:s23] =	stream.linear.scatter [tilespmem:s3], [sflag:$0x8], $0x1000, $0x38;
	[tilespmem:$0x1F880] =	vst v63  }
0x89: {  	_ =	swait.ge [sflag:s26], $0x1000  }
0x8a: {  	s10 =	sld [smem:$0x7FA]  }
0x8b: {  	[sflag:s26] =	ssyncset.done $0x0  }
0x8c: {  	[sflag:s26] =	ssyncadd.s32 $0xFFFFF000  }
0x8d: {  	[spmem:s10] =	stream.linear.scatter [tilespmem:s3], [sflag:$0x8], $0x1000, $0x38;
	[tilespmem:$0x1F880] =	vst v63  }
0x8e: {  	_ =	swait.ge [sflag:s26], $0x1000  }
0x8f: {  	s23 =	sld [smem:$0x7FB]  }
0x90: {  	[sflag:s26] =	ssyncset.done $0x0  }
0x91: {  	[sflag:s26] =	ssyncadd.s32 $0xFFFFF000  }
0x92: {  	[spmem:s23] =	stream.linear.scatter [tilespmem:s3], [sflag:$0x8], $0x1000, $0x38;
	[tilespmem:$0x1F880] =	vst v63  }
0x93: {  	_ =	swait.ge [sflag:s26], $0x1000  }
0x94: {  	s10 =	sld [smem:$0x7FC]  }
0x95: {  	[sflag:s26] =	ssyncset.done $0x0  }
0x96: {  	[sflag:s26] =	ssyncadd.s32 $0xFFFFF000  }
0x97: {  	[spmem:s10] =	stream.linear.scatter [tilespmem:s3], [sflag:$0x8], $0x1000, $0x38;
	[tilespmem:$0x1F880] =	vst v63  }
0x98: {  	_ =	swait.ge [sflag:s26], $0x1000  }
0x99: {  	s23 =	sld [smem:$0x7FD]  }
0x9a: {  	[sflag:s26] =	ssyncset.done $0x0  }
0x9b: {  	[sflag:s26] =	ssyncadd.s32 $0xFFFFF000  }
0x9c: {  	[spmem:s23] =	stream.linear.scatter [tilespmem:s3], [sflag:$0x8], $0x1000, $0x38;
	[tilespmem:$0x1F880] =	vst v63  }
0x9d: {  	_ =	swait.ge [sflag:s26], $0x1000  }
0x9e: {  	[sflag:s26] =	ssyncset.done $0x0  }
0x9f: {  	[sflag:s26] =	ssyncadd.s32 $0xFFFFF000  }
0xa0: {  	[spmem:s13] =	stream.linear.scatter [tilespmem:s30], [sflag:$0x8], $0x280, $0x38;
	[tilespmem:$0x1F880] =	vst v63  }
0xa1: {  	_ =	swait.ge [sflag:s26], $0x280  }
0xa2: {  	[sflag:s26] =	ssyncset.done $0x0  }
0xa3: {  	[sflag:s26] =	ssyncadd.s32 $0xFFFFFD80  }
0xa4: {  	[bflag:$0x0] =	sbarrier.arrive $0xFFFF  }
0xa5: {  	s10 =	simm.s32 $0x14280;
	s3 =	rddreg [dreg:$0xf]  }
0xa6: {  	[tilespmem:s10], [sflag:$0x8] =	stream.linear.gather [hbm4b:s3+s7], $0x50, $0x38;
	[tilespmem:$0x1F880] =	vst v63  }
0xa7: {  	_ =	swait.ge [sflag:s26], $0x50  }
0xa8: {  	[sflag:s26] =	ssyncset.done $0x0  }
0xa9: {  	s13 =	rddreg [dreg:$0x10];
	[sflag:s26] =	ssyncadd.s32 $0xFFFFFFB0  }
0xaa: {  	[tilespmem:s11], [sflag:$0x8] =	stream.linear.gather [hbm4b:s13+s7], $0x50, $0x38;
	[tilespmem:$0x1F880] =	vst v63  }
0xab: {  	_ =	swait.ge [sflag:s26], $0x50  }
0xac: {  	[sflag:s26] =	ssyncset.done $0x0  }
0xad: {  	s23 =	rddreg [dreg:$0x11];
	[sflag:s26] =	ssyncadd.s32 $0xFFFFFFB0  }
0xae: {  	[tilespmem:s1], [sflag:$0x8] =	stream.linear.gather [hbm4b:s23+s7], $0x50, $0x38;
	[tilespmem:$0x1F880] =	vst v63  }
0xaf: {  	_ =	swait.ge [sflag:s26], $0x50  }
0xb0: {  	[sflag:s26] =	ssyncset.done $0x0  }
0xb1: {  	[sflag:s26] =	ssyncadd.s32 $0xFFFFFFB0  }
0xb2: {  	[tilespmem:s12], [sflag:$0x1] =	stream.indirect.gather [hbm4b:s5+s6], $0x80, s10, s6, $0xb8;
	[tilespmem:$0x1F880] =	vst v63  }
0xb3: {  	_ = 	snop  }
0xb4: {  	[tilespmem:s15], [sflag:$0x2] =	stream.indirect.gather [hbm4b:s8+s6], $0x80, s11, s6, $0xb8;
	[tilespmem:$0x1F880] =	vst v63  }
0xb5: {  	s3 =	rddreg [dreg:$0x12]  }
0xb6: {  	[tilespmem:s17], [sflag:$0x8] =	stream.linear.gather [hbm4b:s3+s7], $0x50, $0x38;
	[tilespmem:$0x1F880] =	vst v63  }
0xb7: {  	_ =	swait.ge [sflag:s26], $0x50  }
0xb8: {  	[sflag:s26] =	ssyncset.done $0x0  }
0xb9: {  	s13 =	rddreg [dreg:$0x13];
	[sflag:s26] =	ssyncadd.s32 $0xFFFFFFB0  }
0xba: {  	[tilespmem:s18], [sflag:$0x8] =	stream.linear.gather [hbm4b:s13+s7], $0x50, $0x38;
	[tilespmem:$0x1F880] =	vst v63  }
0xbb: {  	_ =	swait.ge [sflag:s26], $0x50  }
0xbc: {  	[sflag:s26] =	ssyncset.done $0x0  }
0xbd: {  	s23 =	rddreg [dreg:$0x14];
	[sflag:s26] =	ssyncadd.s32 $0xFFFFFFB0  }
0xbe: {  	[tilespmem:s16], [sflag:$0x8] =	stream.linear.gather [hbm4b:s23+s7], $0x50, $0x38;
	[tilespmem:$0x1F880] =	vst v63  }
0xbf: {  	_ =	swait.ge [sflag:s26], $0x50  }
0xc0: {  	[sflag:s26] =	ssyncset.done $0x0  }
0xc1: {  	[sflag:s26] =	ssyncadd.s32 $0xFFFFFFB0  }
0xc2: {  	[tilespmem:s31], [sflag:$0x3] =	stream.indirect.gather [hbm4b:s5+s6], $0x80, s17, s6, $0xb8;
	[tilespmem:$0x1F880] =	vst v63  }
0xc3: {  	_ = 	snop  }
0xc4: {  	[tilespmem:s19], [sflag:$0x4] =	stream.indirect.gather [hbm4b:s8+s6], $0x80, s18, s6, $0xb8;
	[tilespmem:$0x1F880] =	vst v63  }
0xc5: {  	_ =	swait.ge [sflag:s20], $0x2800  }
0xc6: {  	[sflag:s20] =	ssyncset.done $0x0  }
0xc7: {  	[sflag:s20] =	ssyncadd.s32 $0xFFFFD800  }
0xc8: {  	_ =	swait.ge [sflag:s21], $0x2800  }
0xc9: {  	[sflag:s21] =	ssyncset.done $0x0  }
0xca: {  	[sflag:s21] =	ssyncadd.s32 $0xFFFFD800  }
0xcb: {  	[spmem:s4] =	stream.indirect.scatter.add.f32 [tilespmem:s12], [sflag:$0x5], $0x80, s1, s6, $0xb8;
	[tilespmem:$0x1F880] =	vst v63  }
0xcc: {  	_ = 	snop  }
0xcd: {  	[spmem:s4] =	stream.indirect.scatter.add.f32 [tilespmem:s15], [sflag:$0x5], $0x80, s1, s6, $0xb8;
	[tilespmem:$0x1F880] =	vst v63  }
0xce: {  	s3 =	simm.s32 $0x1E580  }
0xcf: {  	[spmem:s9] =	stream.indirect.scatter.add.f32 [tilespmem:s3], [sflag:$0x7], $0x1, s1, s6, $0xb8;
	[tilespmem:$0x1F880] =	vst v63  }
0xd0: {  	_ =	swait.ge [sflag:s22], $0x2800  }
0xd1: {  	[sflag:s22] =	ssyncset.done $0x0  }
0xd2: {  	[sflag:s22] =	ssyncadd.s32 $0xFFFFD800  }
0xd3: {  	_ =	swait.ge [sflag:s28], $0x2800  }
0xd4: {  	[sflag:s28] =	ssyncset.done $0x0  }
0xd5: {  	[sflag:s28] =	ssyncadd.s32 $0xFFFFD800  }
0xd6: {  	[spmem:s4] =	stream.indirect.scatter.add.f32 [tilespmem:s31], [sflag:$0x6], $0x80, s16, s6, $0xb8;
	[tilespmem:$0x1F880] =	vst v63  }
0xd7: {  	_ = 	snop  }
0xd8: {  	[spmem:s4] =	stream.indirect.scatter.add.f32 [tilespmem:s19], [sflag:$0x6], $0x80, s16, s6, $0xb8;
	[tilespmem:$0x1F880] =	vst v63  }
0xd9: {  	_ = 	snop  }
0xda: {  	[spmem:s9] =	stream.indirect.scatter.add.f32 [tilespmem:s3], [sflag:$0x7], $0x1, s16, s6, $0xb8;
	[tilespmem:$0x1F880] =	vst v63  }
0xdb: {  	_ =	swait.ge [sflag:s14], $0x2800  }
0xdc: {  	[sflag:s14] =	ssyncset.done $0x0  }
0xdd: {  	[sflag:s14] =	ssyncadd.s32 $0xFFFFD800  }
0xde: {  	_ =	swait.ge [sflag:s14], $0x2800  }
0xdf: {  	s23 =	rddreg [dreg:$0x18]  }
0xe0: {  	[sflag:s14] =	ssyncset.done $0x0;
	s0 =	sshrl.u32 s23, $0x3  }
0xe1: {  	[sflag:s14] =	ssyncadd.s32 $0xFFFFD800;
	s13 =	sadd.s32 s25, s0  }
0xe2: {  	[tilespmem:s10], [sflag:$0x8] =	stream.linear.gather [hbm4b:s13+s7], $0x50, $0x38;
	[tilespmem:$0x1F880] =	vst v63  }
0xe3: {  	_ =	swait.ge [sflag:s26], $0x50  }
0xe4: {  	[sflag:s26] =	ssyncset.done $0x0  }
0xe5: {  	s13 =	sadd.s32 s2, s0;
	[sflag:s26] =	ssyncadd.s32 $0xFFFFFFB0  }
0xe6: {  	[tilespmem:s11], [sflag:$0x8] =	stream.linear.gather [hbm4b:s13+s7], $0x50, $0x38;
	[tilespmem:$0x1F880] =	vst v63  }
0xe7: {  	_ =	swait.ge [sflag:s26], $0x50  }
0xe8: {  	[sflag:s26] =	ssyncset.done $0x0  }
0xe9: {  	s0 =	sadd.s32 s29, s0;
	[sflag:s26] =	ssyncadd.s32 $0xFFFFFFB0  }
0xea: {  	[tilespmem:s1], [sflag:$0x8] =	stream.linear.gather [hbm4b:s0+s7], $0x50, $0x38;
	[tilespmem:$0x1F880] =	vst v63  }
0xeb: {  	_ =	swait.ge [sflag:s26], $0x50  }
0xec: {  	[sflag:s26] =	ssyncset.done $0x0  }
0xed: {  	[sflag:s26] =	ssyncadd.s32 $0xFFFFFFB0  }
0xee: {  	[tilespmem:s12], [sflag:$0x1] =	stream.indirect.gather [hbm4b:s5+s6], $0x80, s10, s6, $0xb8;
	[tilespmem:$0x1F880] =	vst v63  }
0xef: {  	_ = 	snop  }
0xf0: {  	[tilespmem:s15], [sflag:$0x2] =	stream.indirect.gather [hbm4b:s8+s6], $0x80, s11, s6, $0xb8;
	[tilespmem:$0x1F880] =	vst v63  }
0xf1: {  	_ =	swait.ge [sflag:s24], $0x2800  }
0xf2: {  	[sflag:s24] =	ssyncset.done $0x0  }
0xf3: {  	[sflag:s24] =	ssyncadd.s32 $0xFFFFD800  }
0xf4: {  	_ =	swait.ge [sflag:s24], $0x2800  }
0xf5: {  	s13 =	rddreg [dreg:$0x9];
	[sflag:s24] =	ssyncset.done $0x0  }
0xf6: {  	[sflag:s24] =	ssyncadd.s32 $0xFFFFD800;
	s0 =	sadd.s32 $0x0, s13  }
0xf7: {  	[tilespmem:s17], [sflag:$0x8] =	stream.linear.gather [hbm4b:s0+s7], $0x50, $0x38;
	[tilespmem:$0x1F880] =	vst v63  }
0xf8: {  	_ =	swait.ge [sflag:s26], $0x50  }
0xf9: {  	s3 =	rddreg [dreg:$0x8];
	[sflag:s26] =	ssyncset.done $0x0  }
0xfa: {  	[sflag:s26] =	ssyncadd.s32 $0xFFFFFFB0;
	s0 =	sadd.s32 $0x0, s3  }
0xfb: {  	[tilespmem:s18], [sflag:$0x8] =	stream.linear.gather [hbm4b:s0+s7], $0x50, $0x38;
	[tilespmem:$0x1F880] =	vst v63  }
0xfc: {  	_ =	swait.ge [sflag:s26], $0x50  }
0xfd: {  	s13 =	rddreg [dreg:$0x7];
	[sflag:s26] =	ssyncset.done $0x0  }
0xfe: {  	[sflag:s26] =	ssyncadd.s32 $0xFFFFFFB0;
	s0 =	sadd.s32 $0x0, s13  }
0xff: {  	[tilespmem:s16], [sflag:$0x8] =	stream.linear.gather [hbm4b:s0+s7], $0x50, $0x38;
	[tilespmem:$0x1F880] =	vst v63  }
0x100: {  	_ =	swait.ge [sflag:s26], $0x50  }
0x101: {  	s30 =	smov.u32 s25;
	s25 =	smov.u32 s2;
	[sflag:s26] =	ssyncset.done $0x0  }
0x102: {  	s3 =	sadd.s32 $0xA0, s23;
	s13 =	simm.s32 $0x14;
	[sflag:s26] =	ssyncadd.s32 $0xFFFFFFB0  }
0x103: {  	[tilespmem:s31], [sflag:$0x3] =	stream.indirect.gather [hbm4b:s5+s6], $0x80, s17, s6, $0xb8;
	[tilespmem:$0x1F880] =	vst v63  }
.LBB2_2:
0x104: {  	[tilespmem:s19], [sflag:$0x4] =	stream.indirect.gather [hbm4b:s8+s6], $0x80, s18, s6, $0xb8;
	[tilespmem:$0x1F880] =	vst v63  }
0x105: {  	_ =	swait.ge [sflag:s20], $0x2800  }
0x106: {  	[sflag:s20] =	ssyncset.done $0x0  }
0x107: {  	[sflag:s20] =	ssyncadd.s32 $0xFFFFD800  }
0x108: {  	_ =	swait.ge [sflag:s21], $0x2800  }
0x109: {  	[sflag:s21] =	ssyncset.done $0x0  }
0x10a: {  	[sflag:s21] =	ssyncadd.s32 $0xFFFFD800  }
0x10b: {  	[spmem:s4] =	stream.indirect.scatter.add.f32 [tilespmem:s12], [sflag:$0x5], $0x80, s1, s6, $0xb8;
	[tilespmem:$0x1F880] =	vst v63  }
0x10c: {  	_ = 	snop  }
0x10d: {  	[spmem:s4] =	stream.indirect.scatter.add.f32 [tilespmem:s15], [sflag:$0x5], $0x80, s1, s6, $0xb8;
	[tilespmem:$0x1F880] =	vst v63  }
0x10e: {  	s2 =	simm.s32 $0x1E580  }
0x10f: {  	[spmem:s9] =	stream.indirect.scatter.add.f32 [tilespmem:s2], [sflag:$0x7], $0x1, s1, s6, $0xb8;
	[tilespmem:$0x1F880] =	vst v63  }
0x110: {  	_ =	swait.ge [sflag:s22], $0x2800  }
0x111: {  	[sflag:s22] =	ssyncset.done $0x0  }
0x112: {  	[sflag:s22] =	ssyncadd.s32 $0xFFFFD800  }
0x113: {  	_ =	swait.ge [sflag:s28], $0x2800  }
0x114: {  	[sflag:s28] =	ssyncset.done $0x0  }
0x115: {  	[sflag:s28] =	ssyncadd.s32 $0xFFFFD800  }
0x116: {  	[spmem:s4] =	stream.indirect.scatter.add.f32 [tilespmem:s31], [sflag:$0x6], $0x80, s16, s6, $0xb8;
	[tilespmem:$0x1F880] =	vst v63  }
0x117: {  	_ = 	snop  }
0x118: {  	[spmem:s4] =	stream.indirect.scatter.add.f32 [tilespmem:s19], [sflag:$0x6], $0x80, s16, s6, $0xb8;
	[tilespmem:$0x1F880] =	vst v63  }
0x119: {  	_ = 	snop  }
0x11a: {  	[spmem:s9] =	stream.indirect.scatter.add.f32 [tilespmem:s2], [sflag:$0x7], $0x1, s16, s6, $0xb8;
	[tilespmem:$0x1F880] =	vst v63  }
0x11b: {  	_ =	swait.ge [sflag:s14], $0x2800  }
0x11c: {  	[sflag:s14] =	ssyncset.done $0x0  }
0x11d: {  	[sflag:s14] =	ssyncadd.s32 $0xFFFFD800  }
0x11e: {  	s23 =	smov.u32 s29;
	s29 =	smov.u32 s9;
	_ =	swait.ge [sflag:s14], $0x2800  }
0x11f: {  	s2 =	sshrl.u32 s3, $0x3;
	s9 =	smov.u32 s8;
	[sflag:s14] =	ssyncset.done $0x0  }
0x120: {  	s8 =	smov.u32 s5;
	s5 =	sadd.s32 s30, s2;
	[sflag:s14] =	ssyncadd.s32 $0xFFFFD800  }
0x121: {  	[tilespmem:s10], [sflag:$0x8] =	stream.linear.gather [hbm4b:s5+s7], $0x50, $0x38;
	[tilespmem:$0x1F880] =	vst v63  }
0x122: {  	_ =	swait.ge [sflag:s26], $0x50  }
0x123: {  	[sflag:s26] =	ssyncset.done $0x0  }
0x124: {  	s5 =	sadd.s32 s25, s2;
	[sflag:s26] =	ssyncadd.s32 $0xFFFFFFB0  }
0x125: {  	[tilespmem:s11], [sflag:$0x8] =	stream.linear.gather [hbm4b:s5+s7], $0x50, $0x38;
	[tilespmem:$0x1F880] =	vst v63  }
0x126: {  	_ =	swait.ge [sflag:s26], $0x50  }
0x127: {  	[sflag:s26] =	ssyncset.done $0x0  }
0x128: {  	s2 =	sadd.s32 s23, s2;
	[sflag:s26] =	ssyncadd.s32 $0xFFFFFFB0  }
0x129: {  	[tilespmem:s1], [sflag:$0x8] =	stream.linear.gather [hbm4b:s2+s7], $0x50, $0x38;
	[tilespmem:$0x1F880] =	vst v63  }
0x12a: {  	_ =	swait.ge [sflag:s26], $0x50  }
0x12b: {  	[sflag:s26] =	ssyncset.done $0x0  }
0x12c: {  	s5 =	smov.u32 s8;
	[sflag:s26] =	ssyncadd.s32 $0xFFFFFFB0  }
0x12d: {  	[tilespmem:s12], [sflag:$0x1] =	stream.indirect.gather [hbm4b:s5+s6], $0x80, s10, s6, $0xb8;
	[tilespmem:$0x1F880] =	vst v63  }
0x12e: {  	s8 =	smov.u32 s9  }
0x12f: {  	[tilespmem:s15], [sflag:$0x2] =	stream.indirect.gather [hbm4b:s8+s6], $0x80, s11, s6, $0xb8;
	[tilespmem:$0x1F880] =	vst v63  }
0x130: {  	_ =	swait.ge [sflag:s24], $0x2800  }
0x131: {  	[sflag:s24] =	ssyncset.done $0x0  }
0x132: {  	[sflag:s24] =	ssyncadd.s32 $0xFFFFD800  }
0x133: {  	s0 =	smov.u32 s13;
	s9 =	smov.u32 s29;
	_ =	swait.ge [sflag:s24], $0x2800  }
0x134: {  	s29 =	smov.u32 s23;
	s23 =	rddreg [dreg:$0x9];
	[sflag:s24] =	ssyncset.done $0x0  }
0x135: {  	[sflag:s24] =	ssyncadd.s32 $0xFFFFD800;
	s2 =	sadd.s32 s0, s23  }
0x136: {  	[tilespmem:s17], [sflag:$0x8] =	stream.linear.gather [hbm4b:s2+s7], $0x50, $0x38;
	[tilespmem:$0x1F880] =	vst v63  }
0x137: {  	_ =	swait.ge [sflag:s26], $0x50  }
0x138: {  	s23 =	rddreg [dreg:$0x8];
	[sflag:s26] =	ssyncset.done $0x0  }
0x139: {  	[sflag:s26] =	ssyncadd.s32 $0xFFFFFFB0;
	s2 =	sadd.s32 s0, s23  }
0x13a: {  	[tilespmem:s18], [sflag:$0x8] =	stream.linear.gather [hbm4b:s2+s7], $0x50, $0x38;
	[tilespmem:$0x1F880] =	vst v63  }
0x13b: {  	_ =	swait.ge [sflag:s26], $0x50  }
0x13c: {  	s23 =	rddreg [dreg:$0x7];
	[sflag:s26] =	ssyncset.done $0x0  }
0x13d: {  	p0 =	sne.s32 s13, $0x4C4;
	[sflag:s26] =	ssyncadd.s32 $0xFFFFFFB0;
	s0 =	sadd.s32 s0, s23  }
0x13e: {  	[tilespmem:s16], [sflag:$0x8] =	stream.linear.gather [hbm4b:s0+s7], $0x50, $0x38;
	[tilespmem:$0x1F880] =	vst v63  }
.Ltmp0:
0x13f: {  	_ = 	snop;
	(pc) =	sbr.rel @p0 .LBB2_2-.Ltmp0, $4  }
0x140: {  	_ =	swait.ge [sflag:s26], $0x50  }
0x141: {  	[sflag:s26] =	ssyncset.done $0x0  }
0x142: {  	s13 =	sadd.s32 $0x14, s13;
	s3 =	sadd.s32 $0xA0, s3;
	[sflag:s26] =	ssyncadd.s32 $0xFFFFFFB0  }
0x143: {  	[tilespmem:s31], [sflag:$0x3] =	stream.indirect.gather [hbm4b:s5+s6], $0x80, s17, s6, $0xb8;
	[tilespmem:$0x1F880] =	vst v63  }
0x144: {  	[tilespmem:s19], [sflag:$0x4] =	stream.indirect.gather [hbm4b:s8+s6], $0x80, s18, s6, $0xb8;
	[tilespmem:$0x1F880] =	vst v63  }
0x145: {  	_ =	swait.ge [sflag:s20], $0x2800  }
0x146: {  	[sflag:s20] =	ssyncset.done $0x0  }
0x147: {  	[sflag:s20] =	ssyncadd.s32 $0xFFFFD800  }
0x148: {  	_ =	swait.ge [sflag:s21], $0x2800  }
0x149: {  	[sflag:s21] =	ssyncset.done $0x0  }
0x14a: {  	[sflag:s21] =	ssyncadd.s32 $0xFFFFD800  }
0x14b: {  	[spmem:s4] =	stream.indirect.scatter.add.f32 [tilespmem:s12], [sflag:$0x5], $0x80, s1, s6, $0xb8;
	[tilespmem:$0x1F880] =	vst v63  }
0x14c: {  	_ = 	snop  }
0x14d: {  	[spmem:s4] =	stream.indirect.scatter.add.f32 [tilespmem:s15], [sflag:$0x5], $0x80, s1, s6, $0xb8;
	[tilespmem:$0x1F880] =	vst v63  }
0x14e: {  	s0 =	simm.s32 $0x1E580  }
0x14f: {  	[spmem:s9] =	stream.indirect.scatter.add.f32 [tilespmem:s0], [sflag:$0x7], $0x1, s1, s6, $0xb8;
	[tilespmem:$0x1F880] =	vst v63  }
0x150: {  	_ =	swait.ge [sflag:s22], $0x2800  }
0x151: {  	[sflag:s22] =	ssyncset.done $0x0  }
0x152: {  	[sflag:s22] =	ssyncadd.s32 $0xFFFFD800  }
0x153: {  	_ =	swait.ge [sflag:s28], $0x2800  }
0x154: {  	[sflag:s28] =	ssyncset.done $0x0  }
0x155: {  	[sflag:s28] =	ssyncadd.s32 $0xFFFFD800  }
0x156: {  	[spmem:s4] =	stream.indirect.scatter.add.f32 [tilespmem:s31], [sflag:$0x6], $0x80, s16, s6, $0xb8;
	[tilespmem:$0x1F880] =	vst v63  }
0x157: {  	_ = 	snop  }
0x158: {  	[spmem:s4] =	stream.indirect.scatter.add.f32 [tilespmem:s19], [sflag:$0x6], $0x80, s16, s6, $0xb8;
	[tilespmem:$0x1F880] =	vst v63  }
0x159: {  	_ = 	snop  }
0x15a: {  	[spmem:s9] =	stream.indirect.scatter.add.f32 [tilespmem:s0], [sflag:$0x7], $0x1, s16, s6, $0xb8;
	[tilespmem:$0x1F880] =	vst v63  }
0x15b: {  	_ =	swait.ge [sflag:s14], $0x2800  }
0x15c: {  	[sflag:s14] =	ssyncset.done $0x0  }
0x15d: {  	[sflag:s14] =	ssyncadd.s32 $0xFFFFD800  }
0x15e: {  	_ =	swait.ge [sflag:s14], $0x2800  }
0x15f: {  	[sflag:s14] =	ssyncset.done $0x0  }
0x160: {  	[sflag:s14] =	ssyncadd.s32 $0xFFFFD800  }
0x161: {  	_ =	swait.ge [sflag:s24], $0x2800  }
0x162: {  	[sflag:s24] =	ssyncset.done $0x0  }
0x163: {  	[sflag:s24] =	ssyncadd.s32 $0xFFFFD800  }
0x164: {  	_ =	swait.ge [sflag:s24], $0x2800  }
0x165: {  	[sflag:s24] =	ssyncset.done $0x0  }
0x166: {  	s2 =	simm.s32 $0x7;
	[sflag:s24] =	ssyncadd.s32 $0xFFFFD800  }
0x167: {  	_ =	swait.ge [sflag:s2], $0x50  }
0x168: {  	s0 =	simm.s32 $0x7D;
	[sflag:s2] =	ssyncset.done $0x0  }
.LBB2_4:
0x169: {  	p0 =	sne.s32 s0, $0x1;
	s0 =	sadd.s32 $0xFFFFFFFF, s0;
	[sflag:s2] =	ssyncadd.s32 $0xFFFFFFB0  }
.Ltmp1:
0x16a: {  	(pc) =	sbr.rel @p0 .LBB2_4-.Ltmp1, $3  }
0x16b: {  	_ =	sdelay $0x1  }
0x16c: {  	_ =	swait.ge [sflag:s2], $0x50  }
0x16d: {  	[sflag:s2] =	ssyncset.done $0x0  }
0x16e: {  	[sflag:s2] =	ssyncadd.s32 $0xFFFFFFB0  }
0x16f: {  	[bflag:$0x0] =	sbarrier.arrive $0xFFFF  }
0x170: {  	s25 =	simm.s32 $0x1E600;
	s23 =	rddreg [dreg:$0xd]  }
0x171: {  	[tilespmem:s25], [sflag:$0x8] =	stream.linear.gather [spmem:s23], $0x1000, $0x38;
	[tilespmem:$0x1F880] =	vst v63  }
0x172: {  	_ =	swait.ge [sflag:s26], $0x1000  }
0x173: {  	[sflag:s26] =	ssyncset.done $0x0;
	s30 =	rddreg [dreg:$0x19]  }
0x174: {  	[sflag:s26] =	ssyncadd.s32 $0xFFFFF000;
	s0 =	sadd.s32 $0x0, s30  }
0x175: {  	[hbm4b:s0+s7] =	stream.linear.scatter [tilespmem:s25], [sflag:$0x8], $0x1000, $0x38;
	[tilespmem:$0x1F880] =	vst v63  }
0x176: {  	_ =	swait.ge [sflag:s26], $0x1000  }
0x177: {  	s3 =	smov.u32 s23;
	s13 =	rddreg [dreg:$0xe]  }
0x178: {  	s0 =	simm.s32 $0x200;
	[sflag:s26] =	ssyncset.done $0x0;
	s10 =	sld [smem:$0x7F0]  }
.LBB2_6:
0x179: {  	p0 =	sne.s32 s0, $0x2600;
	[sflag:s26] =	ssyncadd.s32 $0xFFFFF000;
	s3 =	sadd.s32 $0x1000, s3  }
0x17a: {  	[tilespmem:s25], [sflag:$0x8] =	stream.linear.gather [spmem:s3], $0x1000, $0x38;
	[tilespmem:$0x1F880] =	vst v63  }
0x17b: {  	s2 =	smov.u32 s0;
	s0 =	sadd.s32 $0x200, s0;
	_ =	swait.ge [sflag:s26], $0x1000  }
.Ltmp2:
0x17c: {  	[sflag:s26] =	ssyncset.done $0x0;
	(pc) =	sbr.rel @p0 .LBB2_6-.Ltmp2, $4  }
0x17d: {  	s2 =	sadd.s32 s2, s30;
	[sflag:s26] =	ssyncadd.s32 $0xFFFFF000  }
0x17e: {  	[hbm4b:s2+s7] =	stream.linear.scatter [tilespmem:s25], [sflag:$0x8], $0x1000, $0x38;
	[tilespmem:$0x1F880] =	vst v63  }
0x17f: {  	_ =	swait.ge [sflag:s26], $0x1000  }
0x180: {  	[sflag:s26] =	ssyncset.done $0x0  }
0x181: {  	[sflag:s26] =	ssyncadd.s32 $0xFFFFF000;
	s30 =	simm.s32 $0x1F600  }
0x182: {  	[tilespmem:s30], [sflag:$0x8] =	stream.linear.gather [spmem:s13], $0x280, $0x38;
	[tilespmem:$0x1F880] =	vst v63  }
0x183: {  	_ =	swait.ge [sflag:s26], $0x280  }
0x184: {  	[sflag:s26] =	ssyncset.done $0x0  }
0x185: {  	s0 =	rddreg [dreg:$0x15];
	[sflag:s26] =	ssyncadd.s32 $0xFFFFFD80  }
0x186: {  	[hbm4b:s0+s7] =	stream.linear.scatter [tilespmem:s30], [sflag:$0x8], $0x280, $0x38;
	[tilespmem:$0x1F880] =	vst v63  }
0x187: {  	_ =	swait.ge [sflag:s26], $0x280  }
0x188: {  	s10 =	sadd.s32 $0x1, s10;
	s25 =	rddreg [dreg:$0x16]  }
0x189: {  	p0 =	sne.s32 s10, s25  }
.Ltmp3:
0x18a: {  	_ = 	snop;
	(pc) =	sbr.rel @p0 .LBB2_1-.Ltmp3, $4  }
0x18b: {  	_ = 	snop  }
0x18c: {  	[sflag:s26] =	ssyncset.done $0x0  }
0x18d: {  	[sflag:s26] =	ssyncadd.s32 $0xFFFFFD80;
	s25 =	rddreg [dreg:$0x1a]  }
0x18e: {  	s3 =	simm.s32 $0x1E600;
	s2 =	rddreg [dreg:$0x3]  }
0x18f: {  	_ =	sfence.sel $0x180000  }
0x190: {  	[bflag:$0x0] =	sbarrier.arrive $0xFFFF  }
0x191: {  	_ =	strace $0x90000047  }
0x192: {  	s0 =	stileid.u32;
	[bflag:$0x2] =	sbarrier.arrive $0xFFFF  }
0x193: {  	p0 =	sne.s32 s0, $0x0;
	s0 =	rddreg [dreg:$0x6]  }
0x194: {  	s0 =	sadd.s32 @!p0 $0x100000, s0  }
0x195: {  	[sflag:s0] =	ssyncadd.tile.s32 @!p0 $0x1;
	_ =	shalt  }
.Lfunc_end2:
_tile_overlayer_lowered:
.L_overlay_start_2:
0x196: {  	(tag) =	ssettag $0x2  }
0x197: {  	s0 =	rddreg [dreg:$0x0];
	s2 =	stileid.u32  }
0x198: {  	s1 =	rddreg [dreg:$0x1];
	p0 =	sne.s32 s2, $0x0  }
0x199: {  	s3 =	rddreg [dreg:$0x2];
	[bflag:$0x3] =	sbarrier.arrive $0xFFFF;
	s2 =	simm.s32 @!p0 $0x1C08  }
0x19a: {  	[timem:s3], [sflag:s2] =	dma.local @!p0 [hbm:s0], s1  }
0x19b: {  	s0 =	simm.s32 @!p0 $0x8  }
0x19c: {  	_ =	swait.ge @!p0 [sflag:s0], s1  }
0x19d: {  	s1 =	ssub.s32 @!p0 $0x0, s1;
	[sflag:s0] =	ssyncset.done @!p0 $0x0  }
0x19e: {  	[sflag:s0] =	ssyncadd.s32 @!p0 s1  }
0x19f: {  	[bflag:$0x3] =	sbarrier.arrive $0xFFFF  }
0x1a0: {  	_ =	shalt  }

</sc_bundles>
